<compile_context>
chip_gen: v7x
topology: tpu7x:2x2x1
jax: 0.10.2.dev20260603
libtpu: 0.0.44.dev20260713+nightly
codegen_flags: <defaults>
</compile_context>

<pallas_src>
import functools

import jax
import jax.numpy as jnp
from jax import lax
from jax.experimental import pallas as pl
from jax.experimental.pallas import tpu as pltpu
from jax.experimental.pallas import tpu_sc as plsc

NSUB = 16
NCORE = 2
CH = 128
PRE = 64
NDUMP = 8


def _segment_sum_sc(x2, src_s, dst2, zeros_blk, n_nodes, half):
    rows_per_sub = src_s.shape[2]
    nps = n_nodes // NSUB
    wb = (n_nodes // NSUB) - 1
    zb = zeros_blk.shape[0]
    mesh = plsc.VectorSubcoreMesh(core_axis_name="c", subcore_axis_name="s")

    @functools.partial(
        pl.kernel,
        mesh=mesh,
        out_type=jax.ShapeDtypeStruct((2, n_nodes, half), jnp.float32),
        scratch_types=[
            pltpu.VMEM((PRE, CH), jnp.int32),
            pltpu.VMEM((PRE, CH), jnp.int32),
            pltpu.VMEM((CH, half), jnp.float32),
            pltpu.VMEM((CH, half), jnp.float32),
            pltpu.VMEM_SHARED((n_nodes + NDUMP, half), jnp.float32),
            pltpu.SemaphoreType.DMA,
            pltpu.SemaphoreType.DMA,
        ],
    )
    def seg_kernel(x2_hbm, src_hbm, dst_hbm, z_hbm, out_hbm,
                   src_v, dst_v, buf_a, buf_b, acc_sh, sem_a, sem_b):
        c = lax.axis_index("c")
        s = lax.axis_index("s")
        pltpu.sync_copy(z_hbm, buf_a)
        zfull = nps // zb
        zrem = nps - zfull * zb

        @pl.loop(0, zfull)
        def _(k):
            pltpu.sync_copy(buf_a, acc_sh.at[pl.ds(s * nps + k * zb, zb)])

        pltpu.sync_copy(buf_a.at[pl.ds(0, zrem)],
                        acc_sh.at[pl.ds(s * nps + zfull * zb, zrem)])

        pltpu.sync_copy(src_hbm.at[c, s, pl.ds(0, PRE)], src_v)
        pltpu.sync_copy(dst_hbm.at[s, pl.ds(0, PRE)], dst_v)
        plsc.subcore_barrier()

        def g_desc(i, buf, sem):
            return pltpu.make_async_copy(x2_hbm.at[src_v.at[i]], buf, sem)

        def run_pairs(npair):
            g_desc(0, buf_a, sem_a).start()

            @pl.loop(0, npair)
            def _(j):
                i0 = 2 * j
                g_desc(i0 + 1, buf_b, sem_b).start()
                g_desc(i0, buf_a, sem_a).wait()
                pltpu.sync_copy(buf_a, acc_sh.at[dst_v.at[i0]], add=True)

                @pl.when(j < npair - 1)
                def _():
                    g_desc(i0 + 2, buf_a, sem_a).start()

                g_desc(i0 + 1, buf_b, sem_b).wait()
                pltpu.sync_copy(buf_b, acc_sh.at[dst_v.at[i0 + 1]], add=True)

        run_pairs(PRE // 2)
        rest = rows_per_sub - PRE
        pltpu.sync_copy(src_hbm.at[c, s, pl.ds(PRE, rest)],
                        src_v.at[pl.ds(0, rest)])
        pltpu.sync_copy(dst_hbm.at[s, pl.ds(PRE, rest)],
                        dst_v.at[pl.ds(0, rest)])
        run_pairs(rest // 2)

        plsc.subcore_barrier()
        pltpu.sync_copy(acc_sh.at[pl.ds(s * wb, wb)],
                        out_hbm.at[c, pl.ds(s * wb, wb)])
        tail = n_nodes - NSUB * wb

        @pl.when(s == NSUB - 1)
        def _():
            pltpu.sync_copy(acc_sh.at[pl.ds(NSUB * wb, tail)],
                            out_hbm.at[c, pl.ds(NSUB * wb, tail)])

    return seg_kernel(x2, src_s, dst2, zeros_blk)


def _dense_block(agg_ref, wm_ref, wo_ref, bo_ref, wg1_ref, bg1_ref,
                 wg2_ref, bg2_ref, wg3_ref, bg3_ref, out_ref):
    half = agg_ref.shape[2]

    def dot(a, b):
        return jnp.dot(a.astype(jnp.bfloat16), b.astype(jnp.bfloat16),
                       preferred_element_type=jnp.float32)

    m = (dot(agg_ref[0], wm_ref[:half, :])
         + dot(agg_ref[1], wm_ref[half:, :]))
    h = jnp.maximum(m, 0.0)
    z = dot(h, wo_ref[...]) + bo_ref[...]
    pre = dot(h, wg1_ref[...]) + bg1_ref[...] + dot(m, wg2_ref[...]) + bg2_ref[...]
    gate = jax.nn.sigmoid(dot(jnp.maximum(pre, 0.0), wg3_ref[...]) + bg3_ref[...])
    out_ref[...] = (z + m) * gate + h * (1.0 - gate)


def _dense(agg2, n_nodes, W_msg, W_o1, b_o1, W_g1, b_g1, W_g2, b_g2,
           W_g3, b_g3):
    half = agg2.shape[2]
    d = 2 * half
    bn = 2000
    w_spec = pl.BlockSpec((d, d), lambda i: (0, 0))
    b_spec = pl.BlockSpec((1, d), lambda i: (0, 0))
    return pl.pallas_call(
        _dense_block,
        grid=(n_nodes // bn,),
        in_specs=[
            pl.BlockSpec((2, bn, half), lambda i: (0, i, 0)),
            w_spec, w_spec, b_spec, w_spec, b_spec,
            w_spec, b_spec, w_spec, b_spec,
        ],
        out_specs=pl.BlockSpec((bn, d), lambda i: (i, 0)),
        out_shape=jax.ShapeDtypeStruct((n_nodes, d), jnp.float32),
    )(agg2, W_msg, W_o1, b_o1.reshape(1, d), W_g1, b_g1.reshape(1, d),
      W_g2, b_g2.reshape(1, d), W_g3, b_g3.reshape(1, d))


def kernel(x, edge_index, W_msg, b_msg, W_o1, b_o1, W_g1, b_g1,
           W_g2, b_g2, W_g3, b_g3):
    n_nodes, d = x.shape
    e = edge_index.shape[1]
    half = d // 2
    src = edge_index[0].astype(jnp.int32)
    dst = edge_index[1].astype(jnp.int32)
    grp = CH * NSUB * 2
    e_pad = ((e + grp - 1) // grp) * grp
    npad = e_pad - e
    pad_ar = jnp.arange(npad, dtype=jnp.int32)
    src = jnp.concatenate([src, pad_ar % n_nodes])
    dst = jnp.concatenate([dst, n_nodes + pad_ar % NDUMP])
    nchunk = e_pad // CH
    src_s = jnp.stack([src * 2, src * 2 + 1]).reshape(NCORE, NSUB,
                                                      nchunk // NSUB, CH)
    dst2 = dst.reshape(NSUB, nchunk // NSUB, CH)
    x2 = x.reshape(2 * n_nodes, half)
    zeros_blk = jnp.zeros((CH, half), jnp.float32)
    agg2 = _segment_sum_sc(x2, src_s, dst2, zeros_blk, n_nodes, half)
    return _dense(agg2, n_nodes, W_msg, W_o1, b_o1, W_g1, b_g1, W_g2, b_g2,
                  W_g3, b_g3)

# --- scband reference (transcript-rebuilt; emitter-appended) ---
"""Pipeline reference for scband-net-781684048481 (READ-ONLY COPY).

The authoritative reference and input builder live on the scoring server;
editing this copy changes nothing except your own understanding.
"""

import jax, jax.numpy as jnp
import numpy as np

N = 10000
E = 160000
D = 256
H = 256

def setup_inputs(seed: int = 0) -> dict:
    key = jax.random.key(seed)
    ks = jax.random.split(key, 10)
    x = jax.random.normal(ks[0], (N, D), dtype=jnp.float32)
    edge_index = jax.random.randint(ks[1], (2, E), 0, N, dtype=jnp.int64)
    s_d = 1.0 / np.sqrt(D)
    s_h = 1.0 / np.sqrt(H)
    W_msg = jax.random.normal(ks[2], (D, H), dtype=jnp.float32) * s_d
    b_msg = jnp.zeros((H,), dtype=jnp.float32)
    W_o1 = jax.random.normal(ks[3], (H, H), dtype=jnp.float32) * s_h
    b_o1 = jnp.zeros((H,), dtype=jnp.float32)
    W_g1 = jax.random.normal(ks[4], (H, H), dtype=jnp.float32) * s_h
    b_g1 = jnp.zeros((H,), dtype=jnp.float32)
    W_g2 = jax.random.normal(ks[5], (H, H), dtype=jnp.float32) * s_h
    b_g2 = jnp.zeros((H,), dtype=jnp.float32)
    W_g3 = jax.random.normal(ks[6], (H, H), dtype=jnp.float32) * s_h
    b_g3 = jnp.full((H,), -3.0, dtype=jnp.float32)  # hk.initializers.Constant(-3)
    return {
        "x": x, "edge_index": edge_index,
        "W_msg": W_msg, "b_msg": b_msg,
        "W_o1": W_o1, "b_o1": b_o1,
        "W_g1": W_g1, "b_g1": b_g1,
        "W_g2": W_g2, "b_g2": b_g2,
        "W_g3": W_g3, "b_g3": b_g3,
    }

def reference(x, edge_index, W_msg, b_msg, W_o1, b_o1, W_g1, b_g1, W_g2, b_g2, W_g3, b_g3):
    src = edge_index[0]
    dst = edge_index[1]
    # message computation: gather source node features, transform
    msgs = jnp.take(x, src, axis=0) @ W_msg + b_msg
    # aggregate messages at destination nodes (scatter-add)
    msg_node = jax.ops.segment_sum(msgs, dst, num_segments=x.shape[0])
    # processor candidate hidden (one message-passing step)
    nxt_hidden = jax.nn.relu(msg_node)
    # GateNet: gated residual combination of nxt_hidden and msg_node
    z = nxt_hidden @ W_o1 + b_o1
    ret = z + msg_node
    gate = jax.nn.sigmoid(
        (jax.nn.relu(nxt_hidden @ W_g1 + b_g1 + msg_node @ W_g2 + b_g2)) @ W_g3 + b_g3
    )
    ret = ret * gate + nxt_hidden * (1.0 - gate)
    return ret

if __name__ == "__main__":
    import jax
    _d = setup_inputs()
    print(jax.jit(kernel)(*tuple(_d.values())))

</pallas_src>

<mosaic_0001>
#map = affine_map<(d0, d1) -> (0, 0)>
#map1 = affine_map<(d0, d1) -> (0, 0, 0, 0)>
#map2 = affine_map<(d0, d1) -> (0, 0, 0)>
module attributes {stable_mosaic.version = 14 : i64} {
  func.func @seg_kernel(%arg0: i32, %arg1: i32, %arg2: memref<20000x128xf32, #tpu.memory_space<hbm>>, %arg3: memref<2x16x80x128xi32, #tpu.memory_space<hbm>>, %arg4: memref<16x80x128xi32, #tpu.memory_space<hbm>>, %arg5: memref<128x128xf32, #tpu.memory_space<hbm>>, %arg6: memref<2x10000x128xf32, #tpu.memory_space<hbm>>, %arg7: memref<64x128xi32, #tpu.memory_space<vmem>>, %arg8: memref<64x128xi32, #tpu.memory_space<vmem>>, %arg9: memref<128x128xf32, #tpu.memory_space<vmem>>, %arg10: memref<128x128xf32, #tpu.memory_space<vmem>>, %arg11: memref<10008x128xf32, #tpu.memory_space<vmem_shared>>, %arg12: memref<!tpu.dma_semaphore, #tpu.memory_space<semaphore_mem>>, %arg13: memref<!tpu.dma_semaphore, #tpu.memory_space<semaphore_mem>>) attributes {dimension_semantics = [#tpu.dimension_semantics<core_parallel>, #tpu.dimension_semantics<subcore_parallel>], iteration_bounds = array<i64: 2, 16>, scalar_prefetch = 0 : i64, scratch_operands = 7 : i64, tpu.core_type = #tpu.core_type<sc_vector_subcore>, window_params = [{transform_indices = #map}, {transform_indices = #map1}, {transform_indices = #map2}, {transform_indices = #map}, {transform_indices = #map2}]} {
    "tpu.region"() ({
      %run_scoped3A = tpu.sem_alloc : memref<!tpu.dma_semaphore, #tpu.memory_space<semaphore_mem>>
      tpu.enqueue_dma source(%arg5 : memref<128x128xf32, #tpu.memory_space<hbm>>) target(%arg9 : memref<128x128xf32, #tpu.memory_space<vmem>>) target_semaphore(%run_scoped3A : memref<!tpu.dma_semaphore, #tpu.memory_space<semaphore_mem>>)
      tpu.wait_dma2 semaphore(%run_scoped3A : memref<!tpu.dma_semaphore, #tpu.memory_space<semaphore_mem>>) src(%arg5 : memref<128x128xf32, #tpu.memory_space<hbm>>) dst(%arg9 : memref<128x128xf32, #tpu.memory_space<vmem>>)
      tpu.yield
    }) : () -> ()
    %scan3A = arith.constant 0 : i32
    %scan3A_0 = arith.constant 4 : i32
    %scan3A_1 = arith.addi %scan3A, %scan3A_0 : i32
    %scan3A_2 = arith.constant 1 : i32
    scf.for %scan3A_36 = %scan3A to %scan3A_1 step %scan3A_2  : i32 {
      %mul3A_37 = arith.constant 1 : i32
      %mul3A_38 = arith.muli %scan3A_36, %mul3A_37 : i32
      %add3A_39 = arith.constant 0 : i32
      %add3A_40 = arith.addi %add3A_39, %mul3A_38 : i32
      %mul3A_41 = arith.constant 625 : i32
      %mul3A_42 = arith.muli %arg1, %mul3A_41 : i32
      %mul3A_43 = arith.constant 128 : i32
      %mul3A_44 = arith.muli %add3A_40, %mul3A_43 : i32
      %add3A_45 = arith.addi %mul3A_42, %mul3A_44 : i32
      "tpu.region"() ({
        %run_scoped3A = tpu.sem_alloc : memref<!tpu.dma_semaphore, #tpu.memory_space<semaphore_mem>>
        %dma_start3A_46 = arith.constant 0 : i32
        %dma_start3A_47 = tpu.memref_slice %arg11[%add3A_45, %dma_start3A_46] : memref<10008x128xf32, #tpu.memory_space<vmem_shared>> -> memref<128x128xf32, #tpu.memory_space<vmem_shared>>
        %dma_start3A_48 = arith.constant 0 : i32
        %dma_start3A_49 = tpu.memref_slice %arg11[%add3A_45, %dma_start3A_48] : memref<10008x128xf32, #tpu.memory_space<vmem_shared>> -> memref<128x128xf32, #tpu.memory_space<vmem_shared>>
        tpu.enqueue_dma source(%arg9 : memref<128x128xf32, #tpu.memory_space<vmem>>) target(%dma_start3A_49 : memref<128x128xf32, #tpu.memory_space<vmem_shared>>) target_semaphore(%run_scoped3A : memref<!tpu.dma_semaphore, #tpu.memory_space<semaphore_mem>>)
        %dma_wait3A = arith.constant 0 : i32
        %dma_wait3A_50 = tpu.memref_slice %arg11[%add3A_45, %dma_wait3A] : memref<10008x128xf32, #tpu.memory_space<vmem_shared>> -> memref<128x128xf32, #tpu.memory_space<vmem_shared>>
        %dma_wait3A_51 = arith.constant 0 : i32
        %dma_wait3A_52 = tpu.memref_slice %arg11[%add3A_45, %dma_wait3A_51] : memref<10008x128xf32, #tpu.memory_space<vmem_shared>> -> memref<128x128xf32, #tpu.memory_space<vmem_shared>>
        tpu.wait_dma2 semaphore(%run_scoped3A : memref<!tpu.dma_semaphore, #tpu.memory_space<semaphore_mem>>) src(%arg9 : memref<128x128xf32, #tpu.memory_space<vmem>>) dst(%dma_wait3A_52 : memref<128x128xf32, #tpu.memory_space<vmem_shared>>)
        tpu.yield
      }) : () -> ()
    }
    %scan3A_3 = arith.constant 4 : i32
    %mul3A = arith.constant 625 : i32
    %mul3A_4 = arith.muli %arg1, %mul3A : i32
    %add3A = arith.constant 512 : i32
    %add3A_5 = arith.addi %mul3A_4, %add3A : i32
    "tpu.region"() ({
      %run_scoped3A = tpu.sem_alloc : memref<!tpu.dma_semaphore, #tpu.memory_space<semaphore_mem>>
      %dma_start3A_36 = arith.constant 0 : i32
      %dma_start3A_37 = arith.constant 0 : i32
      %dma_start3A_38 = tpu.memref_slice %arg9[%dma_start3A_36, %dma_start3A_37] : memref<128x128xf32, #tpu.memory_space<vmem>> -> memref<113x128xf32, #tpu.memory_space<vmem>>
      %dma_start3A_39 = arith.constant 0 : i32
      %dma_start3A_40 = tpu.memref_slice %arg11[%add3A_5, %dma_start3A_39] : memref<10008x128xf32, #tpu.memory_space<vmem_shared>> -> memref<113x128xf32, #tpu.memory_space<vmem_shared>>
      %dma_start3A_41 = arith.constant 0 : i32
      %dma_start3A_42 = tpu.memref_slice %arg11[%add3A_5, %dma_start3A_41] : memref<10008x128xf32, #tpu.memory_space<vmem_shared>> -> memref<113x128xf32, #tpu.memory_space<vmem_shared>>
      %dma_start3A_43 = arith.constant 0 : i32
      %dma_start3A_44 = arith.constant 0 : i32
      %dma_start3A_45 = tpu.memref_slice %arg9[%dma_start3A_43, %dma_start3A_44] : memref<128x128xf32, #tpu.memory_space<vmem>> -> memref<113x128xf32, #tpu.memory_space<vmem>>
      tpu.enqueue_dma source(%dma_start3A_45 : memref<113x128xf32, #tpu.memory_space<vmem>>) target(%dma_start3A_42 : memref<113x128xf32, #tpu.memory_space<vmem_shared>>) target_semaphore(%run_scoped3A : memref<!tpu.dma_semaphore, #tpu.memory_space<semaphore_mem>>)
      %dma_wait3A = arith.constant 0 : i32
      %dma_wait3A_46 = arith.constant 0 : i32
      %dma_wait3A_47 = tpu.memref_slice %arg9[%dma_wait3A, %dma_wait3A_46] : memref<128x128xf32, #tpu.memory_space<vmem>> -> memref<113x128xf32, #tpu.memory_space<vmem>>
      %dma_wait3A_48 = arith.constant 0 : i32
      %dma_wait3A_49 = tpu.memref_slice %arg11[%add3A_5, %dma_wait3A_48] : memref<10008x128xf32, #tpu.memory_space<vmem_shared>> -> memref<113x128xf32, #tpu.memory_space<vmem_shared>>
      %dma_wait3A_50 = arith.constant 0 : i32
      %dma_wait3A_51 = tpu.memref_slice %arg11[%add3A_5, %dma_wait3A_50] : memref<10008x128xf32, #tpu.memory_space<vmem_shared>> -> memref<113x128xf32, #tpu.memory_space<vmem_shared>>
      %dma_wait3A_52 = arith.constant 0 : i32
      %dma_wait3A_53 = arith.constant 0 : i32
      %dma_wait3A_54 = tpu.memref_slice %arg9[%dma_wait3A_52, %dma_wait3A_53] : memref<128x128xf32, #tpu.memory_space<vmem>> -> memref<113x128xf32, #tpu.memory_space<vmem>>
      tpu.wait_dma2 semaphore(%run_scoped3A : memref<!tpu.dma_semaphore, #tpu.memory_space<semaphore_mem>>) src(%dma_wait3A_54 : memref<113x128xf32, #tpu.memory_space<vmem>>) dst(%dma_wait3A_51 : memref<113x128xf32, #tpu.memory_space<vmem_shared>>)
      tpu.yield
    }) : () -> ()
    "tpu.region"() ({
      %run_scoped3A = tpu.sem_alloc : memref<!tpu.dma_semaphore, #tpu.memory_space<semaphore_mem>>
      %dma_start3A_36 = arith.constant 0 : i32
      %dma_start3A_37 = arith.constant 0 : i32
      %dma_start3A_38 = tpu.memref_slice %arg3[%arg0, %arg1, %dma_start3A_36, %dma_start3A_37] : memref<2x16x80x128xi32, #tpu.memory_space<hbm>> -> memref<1x1x64x128xi32, #tpu.memory_space<hbm>>
      %dma_start3A_39 = tpu.memref_squeeze %dma_start3A_38 : memref<1x1x64x128xi32, #tpu.memory_space<hbm>> -> memref<64x128xi32, #tpu.memory_space<hbm>>
      %dma_start3A_40 = arith.constant 0 : i32
      %dma_start3A_41 = arith.constant 0 : i32
      %dma_start3A_42 = tpu.memref_slice %arg3[%arg0, %arg1, %dma_start3A_40, %dma_start3A_41] : memref<2x16x80x128xi32, #tpu.memory_space<hbm>> -> memref<1x1x64x128xi32, #tpu.memory_space<hbm>>
      %dma_start3A_43 = tpu.memref_squeeze %dma_start3A_42 : memref<1x1x64x128xi32, #tpu.memory_space<hbm>> -> memref<64x128xi32, #tpu.memory_space<hbm>>
      tpu.enqueue_dma source(%dma_start3A_43 : memref<64x128xi32, #tpu.memory_space<hbm>>) target(%arg7 : memref<64x128xi32, #tpu.memory_space<vmem>>) target_semaphore(%run_scoped3A : memref<!tpu.dma_semaphore, #tpu.memory_space<semaphore_mem>>)
      %dma_wait3A = arith.constant 0 : i32
      %dma_wait3A_44 = arith.constant 0 : i32
      %dma_wait3A_45 = tpu.memref_slice %arg3[%arg0, %arg1, %dma_wait3A, %dma_wait3A_44] : memref<2x16x80x128xi32, #tpu.memory_space<hbm>> -> memref<1x1x64x128xi32, #tpu.memory_space<hbm>>
      %dma_wait3A_46 = tpu.memref_squeeze %dma_wait3A_45 : memref<1x1x64x128xi32, #tpu.memory_space<hbm>> -> memref<64x128xi32, #tpu.memory_space<hbm>>
      %dma_wait3A_47 = arith.constant 0 : i32
      %dma_wait3A_48 = arith.constant 0 : i32
      %dma_wait3A_49 = tpu.memref_slice %arg3[%arg0, %arg1, %dma_wait3A_47, %dma_wait3A_48] : memref<2x16x80x128xi32, #tpu.memory_space<hbm>> -> memref<1x1x64x128xi32, #tpu.memory_space<hbm>>
      %dma_wait3A_50 = tpu.memref_squeeze %dma_wait3A_49 : memref<1x1x64x128xi32, #tpu.memory_space<hbm>> -> memref<64x128xi32, #tpu.memory_space<hbm>>
      tpu.wait_dma2 semaphore(%run_scoped3A : memref<!tpu.dma_semaphore, #tpu.memory_space<semaphore_mem>>) src(%dma_wait3A_50 : memref<64x128xi32, #tpu.memory_space<hbm>>) dst(%arg7 : memref<64x128xi32, #tpu.memory_space<vmem>>)
      tpu.yield
    }) : () -> ()
    "tpu.region"() ({
      %run_scoped3A = tpu.sem_alloc : memref<!tpu.dma_semaphore, #tpu.memory_space<semaphore_mem>>
      %dma_start3A_36 = arith.constant 0 : i32
      %dma_start3A_37 = arith.constant 0 : i32
      %dma_start3A_38 = tpu.memref_slice %arg4[%arg1, %dma_start3A_36, %dma_start3A_37] : memref<16x80x128xi32, #tpu.memory_space<hbm>> -> memref<1x64x128xi32, #tpu.memory_space<hbm>>
      %dma_start3A_39 = tpu.memref_squeeze %dma_start3A_38 : memref<1x64x128xi32, #tpu.memory_space<hbm>> -> memref<64x128xi32, #tpu.memory_space<hbm>>
      %dma_start3A_40 = arith.constant 0 : i32
      %dma_start3A_41 = arith.constant 0 : i32
      %dma_start3A_42 = tpu.memref_slice %arg4[%arg1, %dma_start3A_40, %dma_start3A_41] : memref<16x80x128xi32, #tpu.memory_space<hbm>> -> memref<1x64x128xi32, #tpu.memory_space<hbm>>
      %dma_start3A_43 = tpu.memref_squeeze %dma_start3A_42 : memref<1x64x128xi32, #tpu.memory_space<hbm>> -> memref<64x128xi32, #tpu.memory_space<hbm>>
      tpu.enqueue_dma source(%dma_start3A_43 : memref<64x128xi32, #tpu.memory_space<hbm>>) target(%arg8 : memref<64x128xi32, #tpu.memory_space<vmem>>) target_semaphore(%run_scoped3A : memref<!tpu.dma_semaphore, #tpu.memory_space<semaphore_mem>>)
      %dma_wait3A = arith.constant 0 : i32
      %dma_wait3A_44 = arith.constant 0 : i32
      %dma_wait3A_45 = tpu.memref_slice %arg4[%arg1, %dma_wait3A, %dma_wait3A_44] : memref<16x80x128xi32, #tpu.memory_space<hbm>> -> memref<1x64x128xi32, #tpu.memory_space<hbm>>
      %dma_wait3A_46 = tpu.memref_squeeze %dma_wait3A_45 : memref<1x64x128xi32, #tpu.memory_space<hbm>> -> memref<64x128xi32, #tpu.memory_space<hbm>>
      %dma_wait3A_47 = arith.constant 0 : i32
      %dma_wait3A_48 = arith.constant 0 : i32
      %dma_wait3A_49 = tpu.memref_slice %arg4[%arg1, %dma_wait3A_47, %dma_wait3A_48] : memref<16x80x128xi32, #tpu.memory_space<hbm>> -> memref<1x64x128xi32, #tpu.memory_space<hbm>>
      %dma_wait3A_50 = tpu.memref_squeeze %dma_wait3A_49 : memref<1x64x128xi32, #tpu.memory_space<hbm>> -> memref<64x128xi32, #tpu.memory_space<hbm>>
      tpu.wait_dma2 semaphore(%run_scoped3A : memref<!tpu.dma_semaphore, #tpu.memory_space<semaphore_mem>>) src(%dma_wait3A_50 : memref<64x128xi32, #tpu.memory_space<hbm>>) dst(%arg8 : memref<64x128xi32, #tpu.memory_space<vmem>>)
      tpu.yield
    }) : () -> ()
    %barrier3A = arith.constant 0 : index
    tpu.barrier barrier_id(%barrier3A)
    %dma_start3A = arith.constant 0 : i32
    %dma_start3A_6 = arith.constant 0 : i32
    %dma_start3A_7 = tpu.memref_slice %arg7[%dma_start3A, %dma_start3A_6] : memref<64x128xi32, #tpu.memory_space<vmem>> -> memref<1x128xi32, #tpu.memory_space<vmem>>
    %dma_start3A_8 = tpu.memref_squeeze %dma_start3A_7 : memref<1x128xi32, #tpu.memory_space<vmem>> -> memref<128xi32, #tpu.memory_space<vmem>>
    %dma_start3A_9 = arith.constant 0 : i32
    %dma_start3A_10 = arith.constant 0 : i32
    %dma_start3A_11 = tpu.memref_slice %arg2[%dma_start3A_9, %dma_start3A_10] : memref<20000x128xf32, #tpu.memory_space<hbm>> -> memref<20000x128xf32, #tpu.memory_space<hbm>>
    tpu.enqueue_indirect_dma source(%dma_start3A_11 : memref<20000x128xf32, #tpu.memory_space<hbm>>) target(%arg9 : memref<128x128xf32, #tpu.memory_space<vmem>>) offsets(%dma_start3A_8 : memref<128xi32, #tpu.memory_space<vmem>>) semaphore(%arg12 : memref<!tpu.dma_semaphore, #tpu.memory_space<semaphore_mem>>)
    %scan3A_12 = arith.constant 0 : i32
    %scan3A_13 = arith.constant 32 : i32
    %scan3A_14 = arith.addi %scan3A_12, %scan3A_13 : i32
    %scan3A_15 = arith.constant 1 : i32
    scf.for %scan3A_36 = %scan3A_12 to %scan3A_14 step %scan3A_15  : i32 {
      %mul3A_37 = arith.constant 1 : i32
      %mul3A_38 = arith.muli %scan3A_36, %mul3A_37 : i32
      %add3A_39 = arith.constant 0 : i32
      %add3A_40 = arith.addi %add3A_39, %mul3A_38 : i32
      %mul3A_41 = arith.constant 2 : i32
      %mul3A_42 = arith.muli %mul3A_41, %add3A_40 : i32
      %add3A_43 = arith.constant 1 : i32
      %add3A_44 = arith.addi %mul3A_42, %add3A_43 : i32
      %dma_start3A_45 = arith.constant 0 : i32
      %dma_start3A_46 = tpu.memref_slice %arg7[%add3A_44, %dma_start3A_45] : memref<64x128xi32, #tpu.memory_space<vmem>> -> memref<1x128xi32, #tpu.memory_space<vmem>>
      %dma_start3A_47 = tpu.memref_squeeze %dma_start3A_46 : memref<1x128xi32, #tpu.memory_space<vmem>> -> memref<128xi32, #tpu.memory_space<vmem>>
      %dma_start3A_48 = arith.constant 0 : i32
      %dma_start3A_49 = arith.constant 0 : i32
      %dma_start3A_50 = tpu.memref_slice %arg2[%dma_start3A_48, %dma_start3A_49] : memref<20000x128xf32, #tpu.memory_space<hbm>> -> memref<20000x128xf32, #tpu.memory_space<hbm>>
      tpu.enqueue_indirect_dma source(%dma_start3A_50 : memref<20000x128xf32, #tpu.memory_space<hbm>>) target(%arg10 : memref<128x128xf32, #tpu.memory_space<vmem>>) offsets(%dma_start3A_47 : memref<128xi32, #tpu.memory_space<vmem>>) semaphore(%arg13 : memref<!tpu.dma_semaphore, #tpu.memory_space<semaphore_mem>>)
      %dma_wait3A = arith.constant 0 : i32
      %dma_wait3A_51 = tpu.memref_slice %arg7[%mul3A_42, %dma_wait3A] : memref<64x128xi32, #tpu.memory_space<vmem>> -> memref<1x128xi32, #tpu.memory_space<vmem>>
      %dma_wait3A_52 = tpu.memref_squeeze %dma_wait3A_51 : memref<1x128xi32, #tpu.memory_space<vmem>> -> memref<128xi32, #tpu.memory_space<vmem>>
      %dma_wait3A_53 = arith.constant 0 : i32
      %dma_wait3A_54 = arith.constant 0 : i32
      %dma_wait3A_55 = tpu.memref_slice %arg2[%dma_wait3A_53, %dma_wait3A_54] : memref<20000x128xf32, #tpu.memory_space<hbm>> -> memref<20000x128xf32, #tpu.memory_space<hbm>>
      tpu.wait_indirect_dma semaphore(%arg12 : memref<!tpu.dma_semaphore, #tpu.memory_space<semaphore_mem>>) src(%dma_wait3A_55 : memref<20000x128xf32, #tpu.memory_space<hbm>>) dst(%arg9 : memref<128x128xf32, #tpu.memory_space<vmem>>)
      "tpu.region"() ({
        %run_scoped3A = tpu.sem_alloc : memref<!tpu.dma_semaphore, #tpu.memory_space<semaphore_mem>>
        %dma_start3A_70 = arith.constant 0 : i32
        %dma_start3A_71 = tpu.memref_slice %arg8[%mul3A_42, %dma_start3A_70] : memref<64x128xi32, #tpu.memory_space<vmem>> -> memref<1x128xi32, #tpu.memory_space<vmem>>
        %dma_start3A_72 = tpu.memref_squeeze %dma_start3A_71 : memref<1x128xi32, #tpu.memory_space<vmem>> -> memref<128xi32, #tpu.memory_space<vmem>>
        %dma_start3A_73 = arith.constant 0 : i32
        %dma_start3A_74 = arith.constant 0 : i32
        %dma_start3A_75 = tpu.memref_slice %arg11[%dma_start3A_73, %dma_start3A_74] : memref<10008x128xf32, #tpu.memory_space<vmem_shared>> -> memref<10008x128xf32, #tpu.memory_space<vmem_shared>>
        tpu.enqueue_indirect_dma source(%arg9 : memref<128x128xf32, #tpu.memory_space<vmem>>) target(%dma_start3A_75 : memref<10008x128xf32, #tpu.memory_space<vmem_shared>>) offsets(%dma_start3A_72 : memref<128xi32, #tpu.memory_space<vmem>>) semaphore(%run_scoped3A : memref<!tpu.dma_semaphore, #tpu.memory_space<semaphore_mem>>) {add = true}
        %dma_wait3A_76 = arith.constant 0 : i32
        %dma_wait3A_77 = tpu.memref_slice %arg8[%mul3A_42, %dma_wait3A_76] : memref<64x128xi32, #tpu.memory_space<vmem>> -> memref<1x128xi32, #tpu.memory_space<vmem>>
        %dma_wait3A_78 = tpu.memref_squeeze %dma_wait3A_77 : memref<1x128xi32, #tpu.memory_space<vmem>> -> memref<128xi32, #tpu.memory_space<vmem>>
        %dma_wait3A_79 = arith.constant 0 : i32
        %dma_wait3A_80 = arith.constant 0 : i32
        %dma_wait3A_81 = tpu.memref_slice %arg11[%dma_wait3A_79, %dma_wait3A_80] : memref<10008x128xf32, #tpu.memory_space<vmem_shared>> -> memref<10008x128xf32, #tpu.memory_space<vmem_shared>>
        tpu.wait_indirect_dma semaphore(%run_scoped3A : memref<!tpu.dma_semaphore, #tpu.memory_space<semaphore_mem>>) src(%arg9 : memref<128x128xf32, #tpu.memory_space<vmem>>) dst(%dma_wait3A_81 : memref<10008x128xf32, #tpu.memory_space<vmem_shared>>)
        tpu.yield
      }) : () -> ()
      %lt3A = arith.constant 31 : i32
      %lt3A_56 = arith.cmpi slt, %add3A_40, %lt3A : i32
      %convert_element_type3A_57 = arith.extui %lt3A_56 : i1 to i32
      %cond3A_58 = arith.constant 0 : i32
      %cond3A_59 = arith.cmpi ne, %convert_element_type3A_57, %cond3A_58 : i32
      scf.if %cond3A_59 {
        %add3A_70 = arith.constant 2 : i32
        %add3A_71 = arith.addi %mul3A_42, %add3A_70 : i32
        %dma_start3A_72 = arith.constant 0 : i32
        %dma_start3A_73 = tpu.memref_slice %arg7[%add3A_71, %dma_start3A_72] : memref<64x128xi32, #tpu.memory_space<vmem>> -> memref<1x128xi32, #tpu.memory_space<vmem>>
        %dma_start3A_74 = tpu.memref_squeeze %dma_start3A_73 : memref<1x128xi32, #tpu.memory_space<vmem>> -> memref<128xi32, #tpu.memory_space<vmem>>
        %dma_start3A_75 = arith.constant 0 : i32
        %dma_start3A_76 = arith.constant 0 : i32
        %dma_start3A_77 = tpu.memref_slice %arg2[%dma_start3A_75, %dma_start3A_76] : memref<20000x128xf32, #tpu.memory_space<hbm>> -> memref<20000x128xf32, #tpu.memory_space<hbm>>
        tpu.enqueue_indirect_dma source(%dma_start3A_77 : memref<20000x128xf32, #tpu.memory_space<hbm>>) target(%arg9 : memref<128x128xf32, #tpu.memory_space<vmem>>) offsets(%dma_start3A_74 : memref<128xi32, #tpu.memory_space<vmem>>) semaphore(%arg12 : memref<!tpu.dma_semaphore, #tpu.memory_space<semaphore_mem>>)
      } else {
      }
      %add3A_60 = arith.constant 1 : i32
      %add3A_61 = arith.addi %mul3A_42, %add3A_60 : i32
      %dma_wait3A_62 = arith.constant 0 : i32
      %dma_wait3A_63 = tpu.memref_slice %arg7[%add3A_61, %dma_wait3A_62] : memref<64x128xi32, #tpu.memory_space<vmem>> -> memref<1x128xi32, #tpu.memory_space<vmem>>
      %dma_wait3A_64 = tpu.memref_squeeze %dma_wait3A_63 : memref<1x128xi32, #tpu.memory_space<vmem>> -> memref<128xi32, #tpu.memory_space<vmem>>
      %dma_wait3A_65 = arith.constant 0 : i32
      %dma_wait3A_66 = arith.constant 0 : i32
      %dma_wait3A_67 = tpu.memref_slice %arg2[%dma_wait3A_65, %dma_wait3A_66] : memref<20000x128xf32, #tpu.memory_space<hbm>> -> memref<20000x128xf32, #tpu.memory_space<hbm>>
      tpu.wait_indirect_dma semaphore(%arg13 : memref<!tpu.dma_semaphore, #tpu.memory_space<semaphore_mem>>) src(%dma_wait3A_67 : memref<20000x128xf32, #tpu.memory_space<hbm>>) dst(%arg10 : memref<128x128xf32, #tpu.memory_space<vmem>>)
      %add3A_68 = arith.constant 1 : i32
      %add3A_69 = arith.addi %mul3A_42, %add3A_68 : i32
      "tpu.region"() ({
        %run_scoped3A = tpu.sem_alloc : memref<!tpu.dma_semaphore, #tpu.memory_space<semaphore_mem>>
        %dma_start3A_70 = arith.constant 0 : i32
        %dma_start3A_71 = tpu.memref_slice %arg8[%add3A_69, %dma_start3A_70] : memref<64x128xi32, #tpu.memory_space<vmem>> -> memref<1x128xi32, #tpu.memory_space<vmem>>
        %dma_start3A_72 = tpu.memref_squeeze %dma_start3A_71 : memref<1x128xi32, #tpu.memory_space<vmem>> -> memref<128xi32, #tpu.memory_space<vmem>>
        %dma_start3A_73 = arith.constant 0 : i32
        %dma_start3A_74 = arith.constant 0 : i32
        %dma_start3A_75 = tpu.memref_slice %arg11[%dma_start3A_73, %dma_start3A_74] : memref<10008x128xf32, #tpu.memory_space<vmem_shared>> -> memref<10008x128xf32, #tpu.memory_space<vmem_shared>>
        tpu.enqueue_indirect_dma source(%arg10 : memref<128x128xf32, #tpu.memory_space<vmem>>) target(%dma_start3A_75 : memref<10008x128xf32, #tpu.memory_space<vmem_shared>>) offsets(%dma_start3A_72 : memref<128xi32, #tpu.memory_space<vmem>>) semaphore(%run_scoped3A : memref<!tpu.dma_semaphore, #tpu.memory_space<semaphore_mem>>) {add = true}
        %dma_wait3A_76 = arith.constant 0 : i32
        %dma_wait3A_77 = tpu.memref_slice %arg8[%add3A_69, %dma_wait3A_76] : memref<64x128xi32, #tpu.memory_space<vmem>> -> memref<1x128xi32, #tpu.memory_space<vmem>>
        %dma_wait3A_78 = tpu.memref_squeeze %dma_wait3A_77 : memref<1x128xi32, #tpu.memory_space<vmem>> -> memref<128xi32, #tpu.memory_space<vmem>>
        %dma_wait3A_79 = arith.constant 0 : i32
        %dma_wait3A_80 = arith.constant 0 : i32
        %dma_wait3A_81 = tpu.memref_slice %arg11[%dma_wait3A_79, %dma_wait3A_80] : memref<10008x128xf32, #tpu.memory_space<vmem_shared>> -> memref<10008x128xf32, #tpu.memory_space<vmem_shared>>
        tpu.wait_indirect_dma semaphore(%run_scoped3A : memref<!tpu.dma_semaphore, #tpu.memory_space<semaphore_mem>>) src(%arg10 : memref<128x128xf32, #tpu.memory_space<vmem>>) dst(%dma_wait3A_81 : memref<10008x128xf32, #tpu.memory_space<vmem_shared>>)
        tpu.yield
      }) : () -> ()
    }
    %scan3A_16 = arith.constant 32 : i32
    "tpu.region"() ({
      %run_scoped3A = tpu.sem_alloc : memref<!tpu.dma_semaphore, #tpu.memory_space<semaphore_mem>>
      %dma_start3A_36 = arith.constant 0 : i32
      %dma_start3A_37 = arith.constant 0 : i32
      %dma_start3A_38 = tpu.memref_slice %arg7[%dma_start3A_36, %dma_start3A_37] : memref<64x128xi32, #tpu.memory_space<vmem>> -> memref<16x128xi32, #tpu.memory_space<vmem>>
      %dma_start3A_39 = arith.constant 64 : i32
      %dma_start3A_40 = arith.constant 0 : i32
      %dma_start3A_41 = tpu.memref_slice %arg3[%arg0, %arg1, %dma_start3A_39, %dma_start3A_40] : memref<2x16x80x128xi32, #tpu.memory_space<hbm>> -> memref<1x1x16x128xi32, #tpu.memory_space<hbm>>
      %dma_start3A_42 = tpu.memref_squeeze %dma_start3A_41 : memref<1x1x16x128xi32, #tpu.memory_space<hbm>> -> memref<16x128xi32, #tpu.memory_space<hbm>>
      %dma_start3A_43 = arith.constant 0 : i32
      %dma_start3A_44 = arith.constant 0 : i32
      %dma_start3A_45 = tpu.memref_slice %arg7[%dma_start3A_43, %dma_start3A_44] : memref<64x128xi32, #tpu.memory_space<vmem>> -> memref<16x128xi32, #tpu.memory_space<vmem>>
      %dma_start3A_46 = arith.constant 64 : i32
      %dma_start3A_47 = arith.constant 0 : i32
      %dma_start3A_48 = tpu.memref_slice %arg3[%arg0, %arg1, %dma_start3A_46, %dma_start3A_47] : memref<2x16x80x128xi32, #tpu.memory_space<hbm>> -> memref<1x1x16x128xi32, #tpu.memory_space<hbm>>
      %dma_start3A_49 = tpu.memref_squeeze %dma_start3A_48 : memref<1x1x16x128xi32, #tpu.memory_space<hbm>> -> memref<16x128xi32, #tpu.memory_space<hbm>>
      tpu.enqueue_dma source(%dma_start3A_49 : memref<16x128xi32, #tpu.memory_space<hbm>>) target(%dma_start3A_45 : memref<16x128xi32, #tpu.memory_space<vmem>>) target_semaphore(%run_scoped3A : memref<!tpu.dma_semaphore, #tpu.memory_space<semaphore_mem>>)
      %dma_wait3A = arith.constant 0 : i32
      %dma_wait3A_50 = arith.constant 0 : i32
      %dma_wait3A_51 = tpu.memref_slice %arg7[%dma_wait3A, %dma_wait3A_50] : memref<64x128xi32, #tpu.memory_space<vmem>> -> memref<16x128xi32, #tpu.memory_space<vmem>>
      %dma_wait3A_52 = arith.constant 64 : i32
      %dma_wait3A_53 = arith.constant 0 : i32
      %dma_wait3A_54 = tpu.memref_slice %arg3[%arg0, %arg1, %dma_wait3A_52, %dma_wait3A_53] : memref<2x16x80x128xi32, #tpu.memory_space<hbm>> -> memref<1x1x16x128xi32, #tpu.memory_space<hbm>>
      %dma_wait3A_55 = tpu.memref_squeeze %dma_wait3A_54 : memref<1x1x16x128xi32, #tpu.memory_space<hbm>> -> memref<16x128xi32, #tpu.memory_space<hbm>>
      %dma_wait3A_56 = arith.constant 0 : i32
      %dma_wait3A_57 = arith.constant 0 : i32
      %dma_wait3A_58 = tpu.memref_slice %arg7[%dma_wait3A_56, %dma_wait3A_57] : memref<64x128xi32, #tpu.memory_space<vmem>> -> memref<16x128xi32, #tpu.memory_space<vmem>>
      %dma_wait3A_59 = arith.constant 64 : i32
      %dma_wait3A_60 = arith.constant 0 : i32
      %dma_wait3A_61 = tpu.memref_slice %arg3[%arg0, %arg1, %dma_wait3A_59, %dma_wait3A_60] : memref<2x16x80x128xi32, #tpu.memory_space<hbm>> -> memref<1x1x16x128xi32, #tpu.memory_space<hbm>>
      %dma_wait3A_62 = tpu.memref_squeeze %dma_wait3A_61 : memref<1x1x16x128xi32, #tpu.memory_space<hbm>> -> memref<16x128xi32, #tpu.memory_space<hbm>>
      tpu.wait_dma2 semaphore(%run_scoped3A : memref<!tpu.dma_semaphore, #tpu.memory_space<semaphore_mem>>) src(%dma_wait3A_62 : memref<16x128xi32, #tpu.memory_space<hbm>>) dst(%dma_wait3A_58 : memref<16x128xi32, #tpu.memory_space<vmem>>)
      tpu.yield
    }) : () -> ()
    "tpu.region"() ({
      %run_scoped3A = tpu.sem_alloc : memref<!tpu.dma_semaphore, #tpu.memory_space<semaphore_mem>>
      %dma_start3A_36 = arith.constant 0 : i32
      %dma_start3A_37 = arith.constant 0 : i32
      %dma_start3A_38 = tpu.memref_slice %arg8[%dma_start3A_36, %dma_start3A_37] : memref<64x128xi32, #tpu.memory_space<vmem>> -> memref<16x128xi32, #tpu.memory_space<vmem>>
      %dma_start3A_39 = arith.constant 64 : i32
      %dma_start3A_40 = arith.constant 0 : i32
      %dma_start3A_41 = tpu.memref_slice %arg4[%arg1, %dma_start3A_39, %dma_start3A_40] : memref<16x80x128xi32, #tpu.memory_space<hbm>> -> memref<1x16x128xi32, #tpu.memory_space<hbm>>
      %dma_start3A_42 = tpu.memref_squeeze %dma_start3A_41 : memref<1x16x128xi32, #tpu.memory_space<hbm>> -> memref<16x128xi32, #tpu.memory_space<hbm>>
      %dma_start3A_43 = arith.constant 0 : i32
      %dma_start3A_44 = arith.constant 0 : i32
      %dma_start3A_45 = tpu.memref_slice %arg8[%dma_start3A_43, %dma_start3A_44] : memref<64x128xi32, #tpu.memory_space<vmem>> -> memref<16x128xi32, #tpu.memory_space<vmem>>
      %dma_start3A_46 = arith.constant 64 : i32
      %dma_start3A_47 = arith.constant 0 : i32
      %dma_start3A_48 = tpu.memref_slice %arg4[%arg1, %dma_start3A_46, %dma_start3A_47] : memref<16x80x128xi32, #tpu.memory_space<hbm>> -> memref<1x16x128xi32, #tpu.memory_space<hbm>>
      %dma_start3A_49 = tpu.memref_squeeze %dma_start3A_48 : memref<1x16x128xi32, #tpu.memory_space<hbm>> -> memref<16x128xi32, #tpu.memory_space<hbm>>
      tpu.enqueue_dma source(%dma_start3A_49 : memref<16x128xi32, #tpu.memory_space<hbm>>) target(%dma_start3A_45 : memref<16x128xi32, #tpu.memory_space<vmem>>) target_semaphore(%run_scoped3A : memref<!tpu.dma_semaphore, #tpu.memory_space<semaphore_mem>>)
      %dma_wait3A = arith.constant 0 : i32
      %dma_wait3A_50 = arith.constant 0 : i32
      %dma_wait3A_51 = tpu.memref_slice %arg8[%dma_wait3A, %dma_wait3A_50] : memref<64x128xi32, #tpu.memory_space<vmem>> -> memref<16x128xi32, #tpu.memory_space<vmem>>
      %dma_wait3A_52 = arith.constant 64 : i32
      %dma_wait3A_53 = arith.constant 0 : i32
      %dma_wait3A_54 = tpu.memref_slice %arg4[%arg1, %dma_wait3A_52, %dma_wait3A_53] : memref<16x80x128xi32, #tpu.memory_space<hbm>> -> memref<1x16x128xi32, #tpu.memory_space<hbm>>
      %dma_wait3A_55 = tpu.memref_squeeze %dma_wait3A_54 : memref<1x16x128xi32, #tpu.memory_space<hbm>> -> memref<16x128xi32, #tpu.memory_space<hbm>>
      %dma_wait3A_56 = arith.constant 0 : i32
      %dma_wait3A_57 = arith.constant 0 : i32
      %dma_wait3A_58 = tpu.memref_slice %arg8[%dma_wait3A_56, %dma_wait3A_57] : memref<64x128xi32, #tpu.memory_space<vmem>> -> memref<16x128xi32, #tpu.memory_space<vmem>>
      %dma_wait3A_59 = arith.constant 64 : i32
      %dma_wait3A_60 = arith.constant 0 : i32
      %dma_wait3A_61 = tpu.memref_slice %arg4[%arg1, %dma_wait3A_59, %dma_wait3A_60] : memref<16x80x128xi32, #tpu.memory_space<hbm>> -> memref<1x16x128xi32, #tpu.memory_space<hbm>>
      %dma_wait3A_62 = tpu.memref_squeeze %dma_wait3A_61 : memref<1x16x128xi32, #tpu.memory_space<hbm>> -> memref<16x128xi32, #tpu.memory_space<hbm>>
      tpu.wait_dma2 semaphore(%run_scoped3A : memref<!tpu.dma_semaphore, #tpu.memory_space<semaphore_mem>>) src(%dma_wait3A_62 : memref<16x128xi32, #tpu.memory_space<hbm>>) dst(%dma_wait3A_58 : memref<16x128xi32, #tpu.memory_space<vmem>>)
      tpu.yield
    }) : () -> ()
    %dma_start3A_17 = arith.constant 0 : i32
    %dma_start3A_18 = arith.constant 0 : i32
    %dma_start3A_19 = tpu.memref_slice %arg7[%dma_start3A_17, %dma_start3A_18] : memref<64x128xi32, #tpu.memory_space<vmem>> -> memref<1x128xi32, #tpu.memory_space<vmem>>
    %dma_start3A_20 = tpu.memref_squeeze %dma_start3A_19 : memref<1x128xi32, #tpu.memory_space<vmem>> -> memref<128xi32, #tpu.memory_space<vmem>>
    %dma_start3A_21 = arith.constant 0 : i32
    %dma_start3A_22 = arith.constant 0 : i32
    %dma_start3A_23 = tpu.memref_slice %arg2[%dma_start3A_21, %dma_start3A_22] : memref<20000x128xf32, #tpu.memory_space<hbm>> -> memref<20000x128xf32, #tpu.memory_space<hbm>>
    tpu.enqueue_indirect_dma source(%dma_start3A_23 : memref<20000x128xf32, #tpu.memory_space<hbm>>) target(%arg9 : memref<128x128xf32, #tpu.memory_space<vmem>>) offsets(%dma_start3A_20 : memref<128xi32, #tpu.memory_space<vmem>>) semaphore(%arg12 : memref<!tpu.dma_semaphore, #tpu.memory_space<semaphore_mem>>)
    %scan3A_24 = arith.constant 0 : i32
    %scan3A_25 = arith.constant 8 : i32
    %scan3A_26 = arith.addi %scan3A_24, %scan3A_25 : i32
    %scan3A_27 = arith.constant 1 : i32
    scf.for %scan3A_36 = %scan3A_24 to %scan3A_26 step %scan3A_27  : i32 {
      %mul3A_37 = arith.constant 1 : i32
      %mul3A_38 = arith.muli %scan3A_36, %mul3A_37 : i32
      %add3A_39 = arith.constant 0 : i32
      %add3A_40 = arith.addi %add3A_39, %mul3A_38 : i32
      %mul3A_41 = arith.constant 2 : i32
      %mul3A_42 = arith.muli %mul3A_41, %add3A_40 : i32
      %add3A_43 = arith.constant 1 : i32
      %add3A_44 = arith.addi %mul3A_42, %add3A_43 : i32
      %dma_start3A_45 = arith.constant 0 : i32
      %dma_start3A_46 = tpu.memref_slice %arg7[%add3A_44, %dma_start3A_45] : memref<64x128xi32, #tpu.memory_space<vmem>> -> memref<1x128xi32, #tpu.memory_space<vmem>>
      %dma_start3A_47 = tpu.memref_squeeze %dma_start3A_46 : memref<1x128xi32, #tpu.memory_space<vmem>> -> memref<128xi32, #tpu.memory_space<vmem>>
      %dma_start3A_48 = arith.constant 0 : i32
      %dma_start3A_49 = arith.constant 0 : i32
      %dma_start3A_50 = tpu.memref_slice %arg2[%dma_start3A_48, %dma_start3A_49] : memref<20000x128xf32, #tpu.memory_space<hbm>> -> memref<20000x128xf32, #tpu.memory_space<hbm>>
      tpu.enqueue_indirect_dma source(%dma_start3A_50 : memref<20000x128xf32, #tpu.memory_space<hbm>>) target(%arg10 : memref<128x128xf32, #tpu.memory_space<vmem>>) offsets(%dma_start3A_47 : memref<128xi32, #tpu.memory_space<vmem>>) semaphore(%arg13 : memref<!tpu.dma_semaphore, #tpu.memory_space<semaphore_mem>>)
      %dma_wait3A = arith.constant 0 : i32
      %dma_wait3A_51 = tpu.memref_slice %arg7[%mul3A_42, %dma_wait3A] : memref<64x128xi32, #tpu.memory_space<vmem>> -> memref<1x128xi32, #tpu.memory_space<vmem>>
      %dma_wait3A_52 = tpu.memref_squeeze %dma_wait3A_51 : memref<1x128xi32, #tpu.memory_space<vmem>> -> memref<128xi32, #tpu.memory_space<vmem>>
      %dma_wait3A_53 = arith.constant 0 : i32
      %dma_wait3A_54 = arith.constant 0 : i32
      %dma_wait3A_55 = tpu.memref_slice %arg2[%dma_wait3A_53, %dma_wait3A_54] : memref<20000x128xf32, #tpu.memory_space<hbm>> -> memref<20000x128xf32, #tpu.memory_space<hbm>>
      tpu.wait_indirect_dma semaphore(%arg12 : memref<!tpu.dma_semaphore, #tpu.memory_space<semaphore_mem>>) src(%dma_wait3A_55 : memref<20000x128xf32, #tpu.memory_space<hbm>>) dst(%arg9 : memref<128x128xf32, #tpu.memory_space<vmem>>)
      "tpu.region"() ({
        %run_scoped3A = tpu.sem_alloc : memref<!tpu.dma_semaphore, #tpu.memory_space<semaphore_mem>>
        %dma_start3A_70 = arith.constant 0 : i32
        %dma_start3A_71 = tpu.memref_slice %arg8[%mul3A_42, %dma_start3A_70] : memref<64x128xi32, #tpu.memory_space<vmem>> -> memref<1x128xi32, #tpu.memory_space<vmem>>
        %dma_start3A_72 = tpu.memref_squeeze %dma_start3A_71 : memref<1x128xi32, #tpu.memory_space<vmem>> -> memref<128xi32, #tpu.memory_space<vmem>>
        %dma_start3A_73 = arith.constant 0 : i32
        %dma_start3A_74 = arith.constant 0 : i32
        %dma_start3A_75 = tpu.memref_slice %arg11[%dma_start3A_73, %dma_start3A_74] : memref<10008x128xf32, #tpu.memory_space<vmem_shared>> -> memref<10008x128xf32, #tpu.memory_space<vmem_shared>>
        tpu.enqueue_indirect_dma source(%arg9 : memref<128x128xf32, #tpu.memory_space<vmem>>) target(%dma_start3A_75 : memref<10008x128xf32, #tpu.memory_space<vmem_shared>>) offsets(%dma_start3A_72 : memref<128xi32, #tpu.memory_space<vmem>>) semaphore(%run_scoped3A : memref<!tpu.dma_semaphore, #tpu.memory_space<semaphore_mem>>) {add = true}
        %dma_wait3A_76 = arith.constant 0 : i32
        %dma_wait3A_77 = tpu.memref_slice %arg8[%mul3A_42, %dma_wait3A_76] : memref<64x128xi32, #tpu.memory_space<vmem>> -> memref<1x128xi32, #tpu.memory_space<vmem>>
        %dma_wait3A_78 = tpu.memref_squeeze %dma_wait3A_77 : memref<1x128xi32, #tpu.memory_space<vmem>> -> memref<128xi32, #tpu.memory_space<vmem>>
        %dma_wait3A_79 = arith.constant 0 : i32
        %dma_wait3A_80 = arith.constant 0 : i32
        %dma_wait3A_81 = tpu.memref_slice %arg11[%dma_wait3A_79, %dma_wait3A_80] : memref<10008x128xf32, #tpu.memory_space<vmem_shared>> -> memref<10008x128xf32, #tpu.memory_space<vmem_shared>>
        tpu.wait_indirect_dma semaphore(%run_scoped3A : memref<!tpu.dma_semaphore, #tpu.memory_space<semaphore_mem>>) src(%arg9 : memref<128x128xf32, #tpu.memory_space<vmem>>) dst(%dma_wait3A_81 : memref<10008x128xf32, #tpu.memory_space<vmem_shared>>)
        tpu.yield
      }) : () -> ()
      %lt3A = arith.constant 7 : i32
      %lt3A_56 = arith.cmpi slt, %add3A_40, %lt3A : i32
      %convert_element_type3A_57 = arith.extui %lt3A_56 : i1 to i32
      %cond3A_58 = arith.constant 0 : i32
      %cond3A_59 = arith.cmpi ne, %convert_element_type3A_57, %cond3A_58 : i32
      scf.if %cond3A_59 {
        %add3A_70 = arith.constant 2 : i32
        %add3A_71 = arith.addi %mul3A_42, %add3A_70 : i32
        %dma_start3A_72 = arith.constant 0 : i32
        %dma_start3A_73 = tpu.memref_slice %arg7[%add3A_71, %dma_start3A_72] : memref<64x128xi32, #tpu.memory_space<vmem>> -> memref<1x128xi32, #tpu.memory_space<vmem>>
        %dma_start3A_74 = tpu.memref_squeeze %dma_start3A_73 : memref<1x128xi32, #tpu.memory_space<vmem>> -> memref<128xi32, #tpu.memory_space<vmem>>
        %dma_start3A_75 = arith.constant 0 : i32
        %dma_start3A_76 = arith.constant 0 : i32
        %dma_start3A_77 = tpu.memref_slice %arg2[%dma_start3A_75, %dma_start3A_76] : memref<20000x128xf32, #tpu.memory_space<hbm>> -> memref<20000x128xf32, #tpu.memory_space<hbm>>
        tpu.enqueue_indirect_dma source(%dma_start3A_77 : memref<20000x128xf32, #tpu.memory_space<hbm>>) target(%arg9 : memref<128x128xf32, #tpu.memory_space<vmem>>) offsets(%dma_start3A_74 : memref<128xi32, #tpu.memory_space<vmem>>) semaphore(%arg12 : memref<!tpu.dma_semaphore, #tpu.memory_space<semaphore_mem>>)
      } else {
      }
      %add3A_60 = arith.constant 1 : i32
      %add3A_61 = arith.addi %mul3A_42, %add3A_60 : i32
      %dma_wait3A_62 = arith.constant 0 : i32
      %dma_wait3A_63 = tpu.memref_slice %arg7[%add3A_61, %dma_wait3A_62] : memref<64x128xi32, #tpu.memory_space<vmem>> -> memref<1x128xi32, #tpu.memory_space<vmem>>
      %dma_wait3A_64 = tpu.memref_squeeze %dma_wait3A_63 : memref<1x128xi32, #tpu.memory_space<vmem>> -> memref<128xi32, #tpu.memory_space<vmem>>
      %dma_wait3A_65 = arith.constant 0 : i32
      %dma_wait3A_66 = arith.constant 0 : i32
      %dma_wait3A_67 = tpu.memref_slice %arg2[%dma_wait3A_65, %dma_wait3A_66] : memref<20000x128xf32, #tpu.memory_space<hbm>> -> memref<20000x128xf32, #tpu.memory_space<hbm>>
      tpu.wait_indirect_dma semaphore(%arg13 : memref<!tpu.dma_semaphore, #tpu.memory_space<semaphore_mem>>) src(%dma_wait3A_67 : memref<20000x128xf32, #tpu.memory_space<hbm>>) dst(%arg10 : memref<128x128xf32, #tpu.memory_space<vmem>>)
      %add3A_68 = arith.constant 1 : i32
      %add3A_69 = arith.addi %mul3A_42, %add3A_68 : i32
      "tpu.region"() ({
        %run_scoped3A = tpu.sem_alloc : memref<!tpu.dma_semaphore, #tpu.memory_space<semaphore_mem>>
        %dma_start3A_70 = arith.constant 0 : i32
        %dma_start3A_71 = tpu.memref_slice %arg8[%add3A_69, %dma_start3A_70] : memref<64x128xi32, #tpu.memory_space<vmem>> -> memref<1x128xi32, #tpu.memory_space<vmem>>
        %dma_start3A_72 = tpu.memref_squeeze %dma_start3A_71 : memref<1x128xi32, #tpu.memory_space<vmem>> -> memref<128xi32, #tpu.memory_space<vmem>>
        %dma_start3A_73 = arith.constant 0 : i32
        %dma_start3A_74 = arith.constant 0 : i32
        %dma_start3A_75 = tpu.memref_slice %arg11[%dma_start3A_73, %dma_start3A_74] : memref<10008x128xf32, #tpu.memory_space<vmem_shared>> -> memref<10008x128xf32, #tpu.memory_space<vmem_shared>>
        tpu.enqueue_indirect_dma source(%arg10 : memref<128x128xf32, #tpu.memory_space<vmem>>) target(%dma_start3A_75 : memref<10008x128xf32, #tpu.memory_space<vmem_shared>>) offsets(%dma_start3A_72 : memref<128xi32, #tpu.memory_space<vmem>>) semaphore(%run_scoped3A : memref<!tpu.dma_semaphore, #tpu.memory_space<semaphore_mem>>) {add = true}
        %dma_wait3A_76 = arith.constant 0 : i32
        %dma_wait3A_77 = tpu.memref_slice %arg8[%add3A_69, %dma_wait3A_76] : memref<64x128xi32, #tpu.memory_space<vmem>> -> memref<1x128xi32, #tpu.memory_space<vmem>>
        %dma_wait3A_78 = tpu.memref_squeeze %dma_wait3A_77 : memref<1x128xi32, #tpu.memory_space<vmem>> -> memref<128xi32, #tpu.memory_space<vmem>>
        %dma_wait3A_79 = arith.constant 0 : i32
        %dma_wait3A_80 = arith.constant 0 : i32
        %dma_wait3A_81 = tpu.memref_slice %arg11[%dma_wait3A_79, %dma_wait3A_80] : memref<10008x128xf32, #tpu.memory_space<vmem_shared>> -> memref<10008x128xf32, #tpu.memory_space<vmem_shared>>
        tpu.wait_indirect_dma semaphore(%run_scoped3A : memref<!tpu.dma_semaphore, #tpu.memory_space<semaphore_mem>>) src(%arg10 : memref<128x128xf32, #tpu.memory_space<vmem>>) dst(%dma_wait3A_81 : memref<10008x128xf32, #tpu.memory_space<vmem_shared>>)
        tpu.yield
      }) : () -> ()
    }
    %scan3A_28 = arith.constant 8 : i32
    %barrier3A_29 = arith.constant 0 : index
    tpu.barrier barrier_id(%barrier3A_29)
    %mul3A_30 = arith.constant 624 : i32
    %mul3A_31 = arith.muli %arg1, %mul3A_30 : i32
    %mul3A_32 = arith.constant 624 : i32
    %mul3A_33 = arith.muli %arg1, %mul3A_32 : i32
    "tpu.region"() ({
      %run_scoped3A = tpu.sem_alloc : memref<!tpu.dma_semaphore, #tpu.memory_space<semaphore_mem>>
      %dma_start3A_36 = arith.constant 0 : i32
      %dma_start3A_37 = tpu.memref_slice %arg6[%arg0, %mul3A_33, %dma_start3A_36] : memref<2x10000x128xf32, #tpu.memory_space<hbm>> -> memref<1x624x128xf32, #tpu.memory_space<hbm>>
      %dma_start3A_38 = tpu.memref_squeeze %dma_start3A_37 : memref<1x624x128xf32, #tpu.memory_space<hbm>> -> memref<624x128xf32, #tpu.memory_space<hbm>>
      %dma_start3A_39 = arith.constant 0 : i32
      %dma_start3A_40 = tpu.memref_slice %arg11[%mul3A_31, %dma_start3A_39] : memref<10008x128xf32, #tpu.memory_space<vmem_shared>> -> memref<624x128xf32, #tpu.memory_space<vmem_shared>>
      tpu.enqueue_dma source(%dma_start3A_40 : memref<624x128xf32, #tpu.memory_space<vmem_shared>>) target(%dma_start3A_38 : memref<624x128xf32, #tpu.memory_space<hbm>>) target_semaphore(%run_scoped3A : memref<!tpu.dma_semaphore, #tpu.memory_space<semaphore_mem>>)
      %dma_wait3A = arith.constant 0 : i32
      %dma_wait3A_41 = tpu.memref_slice %arg6[%arg0, %mul3A_33, %dma_wait3A] : memref<2x10000x128xf32, #tpu.memory_space<hbm>> -> memref<1x624x128xf32, #tpu.memory_space<hbm>>
      %dma_wait3A_42 = tpu.memref_squeeze %dma_wait3A_41 : memref<1x624x128xf32, #tpu.memory_space<hbm>> -> memref<624x128xf32, #tpu.memory_space<hbm>>
      %dma_wait3A_43 = arith.constant 0 : i32
      %dma_wait3A_44 = tpu.memref_slice %arg11[%mul3A_31, %dma_wait3A_43] : memref<10008x128xf32, #tpu.memory_space<vmem_shared>> -> memref<624x128xf32, #tpu.memory_space<vmem_shared>>
      tpu.wait_dma2 semaphore(%run_scoped3A : memref<!tpu.dma_semaphore, #tpu.memory_space<semaphore_mem>>) src(%dma_wait3A_44 : memref<624x128xf32, #tpu.memory_space<vmem_shared>>) dst(%dma_wait3A_42 : memref<624x128xf32, #tpu.memory_space<hbm>>)
      tpu.yield
    }) : () -> ()
    %eq3A = arith.constant 15 : i32
    %eq3A_34 = arith.cmpi eq, %arg1, %eq3A : i32
    %convert_element_type3A = arith.extui %eq3A_34 : i1 to i32
    %cond3A = arith.constant 0 : i32
    %cond3A_35 = arith.cmpi ne, %convert_element_type3A, %cond3A : i32
    scf.if %cond3A_35 {
      "tpu.region"() ({
        %run_scoped3A = tpu.sem_alloc : memref<!tpu.dma_semaphore, #tpu.memory_space<semaphore_mem>>
        %dma_start3A_36 = arith.constant 9984 : i32
        %dma_start3A_37 = arith.constant 0 : i32
        %dma_start3A_38 = tpu.memref_slice %arg6[%arg0, %dma_start3A_36, %dma_start3A_37] : memref<2x10000x128xf32, #tpu.memory_space<hbm>> -> memref<1x16x128xf32, #tpu.memory_space<hbm>>
        %dma_start3A_39 = tpu.memref_squeeze %dma_start3A_38 : memref<1x16x128xf32, #tpu.memory_space<hbm>> -> memref<16x128xf32, #tpu.memory_space<hbm>>
        %dma_start3A_40 = arith.constant 9984 : i32
        %dma_start3A_41 = arith.constant 0 : i32
        %dma_start3A_42 = tpu.memref_slice %arg11[%dma_start3A_40, %dma_start3A_41] : memref<10008x128xf32, #tpu.memory_space<vmem_shared>> -> memref<16x128xf32, #tpu.memory_space<vmem_shared>>
        tpu.enqueue_dma source(%dma_start3A_42 : memref<16x128xf32, #tpu.memory_space<vmem_shared>>) target(%dma_start3A_39 : memref<16x128xf32, #tpu.memory_space<hbm>>) target_semaphore(%run_scoped3A : memref<!tpu.dma_semaphore, #tpu.memory_space<semaphore_mem>>)
        %dma_wait3A = arith.constant 9984 : i32
        %dma_wait3A_43 = arith.constant 0 : i32
        %dma_wait3A_44 = tpu.memref_slice %arg6[%arg0, %dma_wait3A, %dma_wait3A_43] : memref<2x10000x128xf32, #tpu.memory_space<hbm>> -> memref<1x16x128xf32, #tpu.memory_space<hbm>>
        %dma_wait3A_45 = tpu.memref_squeeze %dma_wait3A_44 : memref<1x16x128xf32, #tpu.memory_space<hbm>> -> memref<16x128xf32, #tpu.memory_space<hbm>>
        %dma_wait3A_46 = arith.constant 9984 : i32
        %dma_wait3A_47 = arith.constant 0 : i32
        %dma_wait3A_48 = tpu.memref_slice %arg11[%dma_wait3A_46, %dma_wait3A_47] : memref<10008x128xf32, #tpu.memory_space<vmem_shared>> -> memref<16x128xf32, #tpu.memory_space<vmem_shared>>
        tpu.wait_dma2 semaphore(%run_scoped3A : memref<!tpu.dma_semaphore, #tpu.memory_space<semaphore_mem>>) src(%dma_wait3A_48 : memref<16x128xf32, #tpu.memory_space<vmem_shared>>) dst(%dma_wait3A_45 : memref<16x128xf32, #tpu.memory_space<hbm>>)
        tpu.yield
      }) : () -> ()
    } else {
    }
    return
  }
}

module attributes {stable_mosaic.version = 14 : i64} {
  func.func @_dense_block(%arg0: i32, %arg1: memref<2x2000x128xf32, #tpu.memory_space<vmem>>, %arg2: memref<256x256xf32, #tpu.memory_space<vmem>>, %arg3: memref<256x256xf32, #tpu.memory_space<vmem>>, %arg4: memref<1x256xf32, #tpu.memory_space<vmem>>, %arg5: memref<256x256xf32, #tpu.memory_space<vmem>>, %arg6: memref<1x256xf32, #tpu.memory_space<vmem>>, %arg7: memref<256x256xf32, #tpu.memory_space<vmem>>, %arg8: memref<1x256xf32, #tpu.memory_space<vmem>>, %arg9: memref<256x256xf32, #tpu.memory_space<vmem>>, %arg10: memref<1x256xf32, #tpu.memory_space<vmem>>, %arg11: memref<2000x256xf32, #tpu.memory_space<vmem>>) attributes {dimension_semantics = [#tpu.dimension_semantics<arbitrary>], iteration_bounds = array<i64: 5>, scalar_prefetch = 0 : i64, scratch_operands = 0 : i64, tpu.core_type = #tpu.core_type<tc>, window_params = [{transform_indices = @transform_0, window_bounds = array<i64: 2, 2000, 128>}, {pipeline_mode = #tpu.pipeline_mode<synchronous>, transform_indices = @transform_1, window_bounds = array<i64: 256, 256>}, {pipeline_mode = #tpu.pipeline_mode<synchronous>, transform_indices = @transform_2, window_bounds = array<i64: 256, 256>}, {pipeline_mode = #tpu.pipeline_mode<synchronous>, transform_indices = @transform_3, window_bounds = array<i64: 1, 256>}, {pipeline_mode = #tpu.pipeline_mode<synchronous>, transform_indices = @transform_4, window_bounds = array<i64: 256, 256>}, {pipeline_mode = #tpu.pipeline_mode<synchronous>, transform_indices = @transform_5, window_bounds = array<i64: 1, 256>}, {pipeline_mode = #tpu.pipeline_mode<synchronous>, transform_indices = @transform_6, window_bounds = array<i64: 256, 256>}, {pipeline_mode = #tpu.pipeline_mode<synchronous>, transform_indices = @transform_7, window_bounds = array<i64: 1, 256>}, {pipeline_mode = #tpu.pipeline_mode<synchronous>, transform_indices = @transform_8, window_bounds = array<i64: 256, 256>}, {pipeline_mode = #tpu.pipeline_mode<synchronous>, transform_indices = @transform_9, window_bounds = array<i64: 1, 256>}, {transform_indices = @transform_10, window_bounds = array<i64: 2000, 256>}]} {
    %get3A = arith.constant 0 : index
    %get3A_0 = arith.constant 0 : index
    %get3A_1 = arith.constant 0 : index
    %get3A_2 = vector.load %arg1[%get3A, %get3A_0, %get3A_1] : memref<2x2000x128xf32, #tpu.memory_space<vmem>>, vector<1x2000x128xf32>
    %get3A_3 = vector.shape_cast %get3A_2 : vector<1x2000x128xf32> to vector<2000x128xf32>
    %get3A_4 = arith.constant 0 : index
    %get3A_5 = arith.constant 0 : index
    %get3A_6 = vector.load %arg2[%get3A_4, %get3A_5] : memref<256x256xf32, #tpu.memory_space<vmem>>, vector<128x256xf32>
    %convert_element_type3A = arith.truncf %get3A_3 : vector<2000x128xf32> to vector<2000x128xbf16>
    %convert_element_type3A_7 = arith.truncf %get3A_6 : vector<128x256xf32> to vector<128x256xbf16>
    %dot_general3A = arith.constant dense<0.000000e+00> : vector<2000x256xf32>
    %dot_general3A_8 = tpu.matmul %convert_element_type3A, %convert_element_type3A_7, %dot_general3A {dimension_numbers = #tpu.dot_dimension_numbers<[1], [0], [0], [1], [0, 0, 1, 1], [], []>, transpose_lhs_hint = false} : vector<2000x128xbf16>, vector<128x256xbf16>, vector<2000x256xf32> -> vector<2000x256xf32>
    %get3A_9 = arith.constant 1 : index
    %get3A_10 = arith.constant 0 : index
    %get3A_11 = arith.constant 0 : index
    %get3A_12 = vector.load %arg1[%get3A_9, %get3A_10, %get3A_11] : memref<2x2000x128xf32, #tpu.memory_space<vmem>>, vector<1x2000x128xf32>
    %get3A_13 = vector.shape_cast %get3A_12 : vector<1x2000x128xf32> to vector<2000x128xf32>
    %get3A_14 = arith.constant 128 : index
    %get3A_15 = arith.constant 0 : index
    %get3A_16 = vector.load %arg2[%get3A_14, %get3A_15] : memref<256x256xf32, #tpu.memory_space<vmem>>, vector<128x256xf32>
    %convert_element_type3A_17 = arith.truncf %get3A_13 : vector<2000x128xf32> to vector<2000x128xbf16>
    %convert_element_type3A_18 = arith.truncf %get3A_16 : vector<128x256xf32> to vector<128x256xbf16>
    %dot_general3A_19 = arith.constant dense<0.000000e+00> : vector<2000x256xf32>
    %dot_general3A_20 = tpu.matmul %convert_element_type3A_17, %convert_element_type3A_18, %dot_general3A_19 {dimension_numbers = #tpu.dot_dimension_numbers<[1], [0], [0], [1], [0, 0, 1, 1], [], []>, transpose_lhs_hint = false} : vector<2000x128xbf16>, vector<128x256xbf16>, vector<2000x256xf32> -> vector<2000x256xf32>
    %add3A = arith.addf %dot_general3A_8, %dot_general3A_20 : vector<2000x256xf32>
    %max3A = arith.constant 0.000000e+00 : f32
    %max3A_21 = vector.broadcast %max3A : f32 to vector<2000x256xf32>
    %max3A_22 = arith.maximumf %add3A, %max3A_21 : vector<2000x256xf32>
    %get3A_23 = arith.constant 0 : index
    %get3A_24 = arith.constant 0 : index
    %get3A_25 = vector.load %arg3[%get3A_23, %get3A_24] : memref<256x256xf32, #tpu.memory_space<vmem>>, vector<256x256xf32>
    %convert_element_type3A_26 = arith.truncf %max3A_22 : vector<2000x256xf32> to vector<2000x256xbf16>
    %convert_element_type3A_27 = arith.truncf %get3A_25 : vector<256x256xf32> to vector<256x256xbf16>
    %dot_general3A_28 = arith.constant dense<0.000000e+00> : vector<2000x256xf32>
    %dot_general3A_29 = tpu.matmul %convert_element_type3A_26, %convert_element_type3A_27, %dot_general3A_28 {dimension_numbers = #tpu.dot_dimension_numbers<[1], [0], [0], [1], [0, 0, 1, 1], [], []>, transpose_lhs_hint = false} : vector<2000x256xbf16>, vector<256x256xbf16>, vector<2000x256xf32> -> vector<2000x256xf32>
    %get3A_30 = arith.constant 0 : index
    %get3A_31 = arith.constant 0 : index
    %get3A_32 = vector.load %arg4[%get3A_30, %get3A_31] : memref<1x256xf32, #tpu.memory_space<vmem>>, vector<1x256xf32>
    %add3A_33 = vector.broadcast %get3A_32 : vector<1x256xf32> to vector<2000x256xf32>
    %add3A_34 = arith.addf %dot_general3A_29, %add3A_33 : vector<2000x256xf32>
    %get3A_35 = arith.constant 0 : index
    %get3A_36 = arith.constant 0 : index
    %get3A_37 = vector.load %arg5[%get3A_35, %get3A_36] : memref<256x256xf32, #tpu.memory_space<vmem>>, vector<256x256xf32>
    %convert_element_type3A_38 = arith.truncf %max3A_22 : vector<2000x256xf32> to vector<2000x256xbf16>
    %convert_element_type3A_39 = arith.truncf %get3A_37 : vector<256x256xf32> to vector<256x256xbf16>
    %dot_general3A_40 = arith.constant dense<0.000000e+00> : vector<2000x256xf32>
    %dot_general3A_41 = tpu.matmul %convert_element_type3A_38, %convert_element_type3A_39, %dot_general3A_40 {dimension_numbers = #tpu.dot_dimension_numbers<[1], [0], [0], [1], [0, 0, 1, 1], [], []>, transpose_lhs_hint = false} : vector<2000x256xbf16>, vector<256x256xbf16>, vector<2000x256xf32> -> vector<2000x256xf32>
    %get3A_42 = arith.constant 0 : index
    %get3A_43 = arith.constant 0 : index
    %get3A_44 = vector.load %arg6[%get3A_42, %get3A_43] : memref<1x256xf32, #tpu.memory_space<vmem>>, vector<1x256xf32>
    %add3A_45 = vector.broadcast %get3A_44 : vector<1x256xf32> to vector<2000x256xf32>
    %add3A_46 = arith.addf %dot_general3A_41, %add3A_45 : vector<2000x256xf32>
    %get3A_47 = arith.constant 0 : index
    %get3A_48 = arith.constant 0 : index
    %get3A_49 = vector.load %arg7[%get3A_47, %get3A_48] : memref<256x256xf32, #tpu.memory_space<vmem>>, vector<256x256xf32>
    %convert_element_type3A_50 = arith.truncf %add3A : vector<2000x256xf32> to vector<2000x256xbf16>
    %convert_element_type3A_51 = arith.truncf %get3A_49 : vector<256x256xf32> to vector<256x256xbf16>
    %dot_general3A_52 = arith.constant dense<0.000000e+00> : vector<2000x256xf32>
    %dot_general3A_53 = tpu.matmul %convert_element_type3A_50, %convert_element_type3A_51, %dot_general3A_52 {dimension_numbers = #tpu.dot_dimension_numbers<[1], [0], [0], [1], [0, 0, 1, 1], [], []>, transpose_lhs_hint = false} : vector<2000x256xbf16>, vector<256x256xbf16>, vector<2000x256xf32> -> vector<2000x256xf32>
    %add3A_54 = arith.addf %add3A_46, %dot_general3A_53 : vector<2000x256xf32>
    %get3A_55 = arith.constant 0 : index
    %get3A_56 = arith.constant 0 : index
    %get3A_57 = vector.load %arg8[%get3A_55, %get3A_56] : memref<1x256xf32, #tpu.memory_space<vmem>>, vector<1x256xf32>
    %add3A_58 = vector.broadcast %get3A_57 : vector<1x256xf32> to vector<2000x256xf32>
    %add3A_59 = arith.addf %add3A_54, %add3A_58 : vector<2000x256xf32>
    %max3A_60 = arith.constant 0.000000e+00 : f32
    %max3A_61 = vector.broadcast %max3A_60 : f32 to vector<2000x256xf32>
    %max3A_62 = arith.maximumf %add3A_59, %max3A_61 : vector<2000x256xf32>
    %get3A_63 = arith.constant 0 : index
    %get3A_64 = arith.constant 0 : index
    %get3A_65 = vector.load %arg9[%get3A_63, %get3A_64] : memref<256x256xf32, #tpu.memory_space<vmem>>, vector<256x256xf32>
    %convert_element_type3A_66 = arith.truncf %max3A_62 : vector<2000x256xf32> to vector<2000x256xbf16>
    %convert_element_type3A_67 = arith.truncf %get3A_65 : vector<256x256xf32> to vector<256x256xbf16>
    %dot_general3A_68 = arith.constant dense<0.000000e+00> : vector<2000x256xf32>
    %dot_general3A_69 = tpu.matmul %convert_element_type3A_66, %convert_element_type3A_67, %dot_general3A_68 {dimension_numbers = #tpu.dot_dimension_numbers<[1], [0], [0], [1], [0, 0, 1, 1], [], []>, transpose_lhs_hint = false} : vector<2000x256xbf16>, vector<256x256xbf16>, vector<2000x256xf32> -> vector<2000x256xf32>
    %get3A_70 = arith.constant 0 : index
    %get3A_71 = arith.constant 0 : index
    %get3A_72 = vector.load %arg10[%get3A_70, %get3A_71] : memref<1x256xf32, #tpu.memory_space<vmem>>, vector<1x256xf32>
    %add3A_73 = vector.broadcast %get3A_72 : vector<1x256xf32> to vector<2000x256xf32>
    %add3A_74 = arith.addf %dot_general3A_69, %add3A_73 : vector<2000x256xf32>
    %logistic3A = arith.negf %add3A_74 : vector<2000x256xf32>
    %logistic3A_75 = math.exp %logistic3A : vector<2000x256xf32>
    %logistic3A_76 = arith.constant 1.000000e+00 : f32
    %logistic3A_77 = vector.broadcast %logistic3A_76 : f32 to vector<2000x256xf32>
    %logistic3A_78 = arith.addf %logistic3A_77, %logistic3A_75 : vector<2000x256xf32>
    %logistic3A_79 = arith.divf %logistic3A_77, %logistic3A_78 : vector<2000x256xf32>
    %add3A_80 = arith.addf %add3A_34, %add3A : vector<2000x256xf32>
    %mul3A = arith.mulf %add3A_80, %logistic3A_79 : vector<2000x256xf32>
    %sub3A = arith.constant 1.000000e+00 : f32
    %sub3A_81 = vector.broadcast %sub3A : f32 to vector<2000x256xf32>
    %sub3A_82 = arith.subf %sub3A_81, %logistic3A_79 : vector<2000x256xf32>
    %mul3A_83 = arith.mulf %max3A_22, %sub3A_82 : vector<2000x256xf32>
    %add3A_84 = arith.addf %mul3A, %mul3A_83 : vector<2000x256xf32>
    %swap3A = arith.constant 0 : index
    %swap3A_85 = arith.constant 0 : index
    %swap3A_86 = vector.load %arg11[%swap3A, %swap3A_85] : memref<2000x256xf32, #tpu.memory_space<vmem>>, vector<2000x256xf32>
    tpu.vector_store %arg11[%swap3A, %swap3A_85], %add3A_84 {strides = array<i32>} : memref<2000x256xf32, #tpu.memory_space<vmem>>, vector<2000x256xf32>,
    return
  }
  func.func @transform_0(%arg0: i32) -> (i32, i32, i32) {
    %c0_i32 = arith.constant 0 : i32
    %c0_i32_0 = arith.constant 0 : i32
    %c0_i32_1 = arith.constant 0 : i32
    return %c0_i32, %arg0, %c0_i32_0 : i32, i32, i32
  }
  func.func @transform_1(%arg0: i32) -> (i32, i32) {
    %c0_i32 = arith.constant 0 : i32
    %c0_i32_0 = arith.constant 0 : i32
    %c0_i32_1 = arith.constant 0 : i32
    return %c0_i32, %c0_i32_0 : i32, i32
  }
  func.func @transform_2(%arg0: i32) -> (i32, i32) {
    %c0_i32 = arith.constant 0 : i32
    %c0_i32_0 = arith.constant 0 : i32
    %c0_i32_1 = arith.constant 0 : i32
    return %c0_i32, %c0_i32_0 : i32, i32
  }
  func.func @transform_3(%arg0: i32) -> (i32, i32) {
    %c0_i32 = arith.constant 0 : i32
    %c0_i32_0 = arith.constant 0 : i32
    %c0_i32_1 = arith.constant 0 : i32
    return %c0_i32, %c0_i32_0 : i32, i32
  }
  func.func @transform_4(%arg0: i32) -> (i32, i32) {
    %c0_i32 = arith.constant 0 : i32
    %c0_i32_0 = arith.constant 0 : i32
    %c0_i32_1 = arith.constant 0 : i32
    return %c0_i32, %c0_i32_0 : i32, i32
  }
  func.func @transform_5(%arg0: i32) -> (i32, i32) {
    %c0_i32 = arith.constant 0 : i32
    %c0_i32_0 = arith.constant 0 : i32
    %c0_i32_1 = arith.constant 0 : i32
    return %c0_i32, %c0_i32_0 : i32, i32
  }
  func.func @transform_6(%arg0: i32) -> (i32, i32) {
    %c0_i32 = arith.constant 0 : i32
    %c0_i32_0 = arith.constant 0 : i32
    %c0_i32_1 = arith.constant 0 : i32
    return %c0_i32, %c0_i32_0 : i32, i32
  }
  func.func @transform_7(%arg0: i32) -> (i32, i32) {
    %c0_i32 = arith.constant 0 : i32
    %c0_i32_0 = arith.constant 0 : i32
    %c0_i32_1 = arith.constant 0 : i32
    return %c0_i32, %c0_i32_0 : i32, i32
  }
  func.func @transform_8(%arg0: i32) -> (i32, i32) {
    %c0_i32 = arith.constant 0 : i32
    %c0_i32_0 = arith.constant 0 : i32
    %c0_i32_1 = arith.constant 0 : i32
    return %c0_i32, %c0_i32_0 : i32, i32
  }
  func.func @transform_9(%arg0: i32) -> (i32, i32) {
    %c0_i32 = arith.constant 0 : i32
    %c0_i32_0 = arith.constant 0 : i32
    %c0_i32_1 = arith.constant 0 : i32
    return %c0_i32, %c0_i32_0 : i32, i32
  }
  func.func @transform_10(%arg0: i32) -> (i32, i32) {
    %c0_i32 = arith.constant 0 : i32
    %c0_i32_0 = arith.constant 0 : i32
    return %arg0, %c0_i32 : i32, i32
  }
}

</mosaic_0001>

<sc_bundles>
// kernel: kernel.4.cloned.1.call-start
scs
__scs_entry_jumppad:
0x0: {  	(pc) =	sbr.rel $0x88, $3  }
0x1: {  	(tag) =	ssettag $0x0;
	lr =	simm.s32 $0x1  }
0x2: {  	[smem:$0x3F96] =	sst lr;
	_ =	strace $0xD0000000  }
0x3: {  	_ = 	snop  }
0x4: {  	_ = 	snop  }
0x5: {  	_ = 	snop  }
0x6: {  	_ = 	snop  }
0x7: {  	_ = 	snop  }
__scs_overlays_trampoline_lowered:
0x8: {  	[smem:$0x3FA5] =	sst s0  }
0x9: {  	[smem:$0x3FA6] =	sst s1  }
0xa: {  	[smem:$0x3FA7] =	sst s2  }
0xb: {  	[smem:$0x3FA8] =	sst s3  }
0xc: {  	[smem:$0x3FA9] =	sst s4  }
0xd: {  	[smem:$0x3FAA] =	sst s5  }
0xe: {  	[smem:$0x3FAB] =	sst s6  }
0xf: {  	[smem:$0x3FAC] =	sst s7  }
0x10: {  	[smem:$0x3FAD] =	sst s8  }
0x11: {  	[smem:$0x3FAE] =	sst s9;
	s0 =	simm.s32 @!p0 $0x0  }
0x12: {  	s1 =	sld [smem:$0x3F94];
	s0 =	simm.s32 @p0 $0x1  }
0x13: {  	[smem:$0x3FAF] =	sst s0;
	s0 =	simm.s32 @!p1 $0x0  }
0x14: {  	s2 =	sld [smem:$0x3F93];
	s0 =	simm.s32 @p1 $0x1  }
0x15: {  	[smem:$0x3FB0] =	sst s0;
	s0 =	simm.s32 @!p2 $0x0  }
0x16: {  	s3 =	sld [smem:$0x3FDB];
	s0 =	simm.s32 @p2 $0x1  }
0x17: {  	s4 =	simm.s32 $0x1BF5;
	[smem:$0x3FB2] =	sst s0  }
0x18: {  	s0 =	sld [smem:$0x3F95];
	_ =	swait.ge [sflag:s4], $0x0  }
0x19: {  	s7 =	sld [smem:$0x3F96]  }
0x1a: {  	s8 =	sadd.s32 $0xFFFFE003, lr  }
0x1b: {  	s9 =	sadd.s32 $0xFFFFFEF7, lr;
	s5 =	simm.s32 $0xFFFFFFFF;
	p2 =	slt.u32 s8, $0xFFFFF086  }
0x1c: {  	p1 =	slt.u32 s9, $0xF7A;
	s5 =	simm.s32 @!p2 $0x0  }
0x1d: {  	s5 =	simm.s32 @p1 $0x1;
	p0 =	seq.s32 s7, s2  }
0x1e: {  	s7 =	smul.u32 @!p0 $0xF7A, s2;
	p2 =	seq.s32 @!p0 s5, $0x0  }
0x1f: {  	s9 =	smul.u32 $0xF7A, s1;
	s8 =	simm.s32 @!p0 $0x1BF5;
	p2 =	por !p2, p0  }
0x20: {  	[sflag:s8] =	ssyncset.s32 @!p0 $0xFFFFF086;
	s6 =	sadd.s32 @!p0 s3, s7;
	s7 =	simm.s32 @!p0 $0x108  }
0x21: {  	s3 =	sadd.s32 s3, s9;
	s6 =	sadd.s32 @!p0 $0x88, s6;
	s7 =	simm.s32 @p2 $0x1082  }
0x22: {  	[simem:s7], [sflag:s8] =	dma.local @!p0 [hbm:s6], $0xF7A  }
0x23: {  	s9 =	sor.u32 $0xD0000000, s2;
	s6 =	simm.s32 $0x108;
	_ =	swait.ge @!p0 [sflag:s8], $0x0  }
0x24: {  	s3 =	sadd.s32 $0x88, s3;
	s6 =	simm.s32 @!p1 $0x1082;
	[sflag:s4] =	ssyncset.s32 $0xFFFFF086  }
0x25: {  	[simem:s6], [sflag:s4] =	dma.local [hbm:s3], $0xF7A  }
0x26: {  	[smem:$0x3F96] =	sst s1;
	(tag) =	ssettag s2;
	_ =	strace s9  }
0x27: {  	s1 =	sld [smem:$0x3FA6]  }
0x28: {  	s2 =	sld [smem:$0x3FA7]  }
0x29: {  	s4 =	sld [smem:$0x3FA9]  }
0x2a: {  	p0 =	seq.s32 s5, $0x0;
	s5 =	sld [smem:$0x3FAA]  }
0x2b: {  	s6 =	sld [smem:$0x3FAB]  }
0x2c: {  	s7 =	sld [smem:$0x3FAC]  }
0x2d: {  	s3 =	simm.s32 $0x108;
	s8 =	sld [smem:$0x3FAD]  }
0x2e: {  	s3 =	simm.s32 @!p0 $0x1082;
	s9 =	sld [smem:$0x3FAE]  }
0x2f: {  	lr =	sadd.s32 s0, s3;
	s0 =	sld [smem:$0x3FA5]  }
0x30: {  	s3 =	sld [smem:$0x3FA8]  }
0x31: {  	[smem:$0x3FB1] =	sst s10  }
0x32: {  	s10 =	sld [smem:$0x3FAF];
	_ =	sdelay $0x3  }
0x33: {  	p0 =	seq.s32 s10, $0x1;
	s10 =	sld [smem:$0x3FB1];
	_ =	sdelay $0x3  }
0x34: {  	[smem:$0x3FB1] =	sst s10  }
0x35: {  	s10 =	sld [smem:$0x3FB0];
	_ =	sdelay $0x3  }
0x36: {  	p1 =	seq.s32 s10, $0x1;
	s10 =	sld [smem:$0x3FB1];
	_ =	sdelay $0x3  }
0x37: {  	[smem:$0x3FB1] =	sst s10  }
0x38: {  	s10 =	sld [smem:$0x3FB2]  }
0x39: {  	_ = 	snop;
	(pc) =	sbr.ind lr, $3  }
0x3a: {  	_ = 	snop  }
0x3b: {  	_ = 	snop  }
0x3c: {  	p2 =	seq.s32 s10, $0x1;
	s10 =	sld [smem:$0x3FB1]  }
0x3d: {  	_ =	shalt  }
0x3e: {  	_ =	shalt  }
0x3f: {  	_ =	shalt  }
0x40: {  	_ =	shalt  }
0x41: {  	_ =	shalt  }
0x42: {  	_ =	shalt  }
0x43: {  	_ =	shalt  }
0x44: {  	_ =	shalt  }
0x45: {  	_ =	shalt  }
0x46: {  	_ =	shalt  }
0x47: {  	_ =	shalt  }
0x48: {  	_ =	shalt  }
0x49: {  	_ =	shalt  }
0x4a: {  	_ =	shalt  }
0x4b: {  	_ =	shalt  }
0x4c: {  	_ =	shalt  }
0x4d: {  	_ =	shalt  }
0x4e: {  	_ =	shalt  }
0x4f: {  	_ =	shalt  }
0x50: {  	_ =	shalt  }
0x51: {  	_ =	shalt  }
0x52: {  	_ =	shalt  }
0x53: {  	_ =	shalt  }
0x54: {  	_ =	shalt  }
0x55: {  	_ =	shalt  }
0x56: {  	_ =	shalt  }
0x57: {  	_ =	shalt  }
0x58: {  	_ =	shalt  }
0x59: {  	_ =	shalt  }
0x5a: {  	_ =	shalt  }
0x5b: {  	_ =	shalt  }
0x5c: {  	_ =	shalt  }
0x5d: {  	_ =	shalt  }
0x5e: {  	_ =	shalt  }
0x5f: {  	_ =	shalt  }
0x60: {  	_ =	shalt  }
0x61: {  	_ =	shalt  }
0x62: {  	_ =	shalt  }
0x63: {  	_ =	shalt  }
0x64: {  	_ =	shalt  }
0x65: {  	_ =	shalt  }
0x66: {  	_ =	shalt  }
0x67: {  	_ =	shalt  }
0x68: {  	_ =	shalt  }
0x69: {  	_ =	shalt  }
0x6a: {  	_ =	shalt  }
0x6b: {  	_ =	shalt  }
0x6c: {  	_ =	shalt  }
0x6d: {  	_ =	shalt  }
0x6e: {  	_ =	shalt  }
0x6f: {  	_ =	shalt  }
0x70: {  	_ =	shalt  }
0x71: {  	_ =	shalt  }
0x72: {  	_ =	shalt  }
0x73: {  	_ =	shalt  }
0x74: {  	_ =	shalt  }
0x75: {  	_ =	shalt  }
0x76: {  	_ =	shalt  }
0x77: {  	_ =	shalt  }
0x78: {  	_ =	shalt  }
0x79: {  	_ =	shalt  }
0x7a: {  	_ =	shalt  }
0x7b: {  	_ =	shalt  }
0x7c: {  	_ =	shalt  }
0x7d: {  	_ =	shalt  }
0x7e: {  	_ =	shalt  }
0x7f: {  	_ =	shalt  }
0x80: {  	_ =	shalt  }
0x81: {  	_ =	shalt  }
0x82: {  	_ =	shalt  }
0x83: {  	_ =	shalt  }
0x84: {  	_ =	shalt  }
0x85: {  	_ =	shalt  }
0x86: {  	_ =	shalt  }
0x87: {  	_ =	shalt  }
.Lfunc_end0:
.L_simem_size_0:
called_computation_lowered:
.L_overlay_start_0:
0x88: {  	s2 =	sld [smem:$0x3FD9]  }
0x89: {  	s3 =	sld [smem:$0x3FFE];
	_ =	sdelay $0x1  }
0x8a: {  	s1 =	srdreg.scid  }
0x8b: {  	s0 =	sand.u32 $0x1, s1  }
0x8c: {  	s17 =	sshll.u32 s0, $0xA;
	s2 =	sadd.s32 s3, s2  }
0x8d: {  	s2 =	sadd.s32 s2, s17  }
0x8e: {  	[smem:$0x3FBD] =	sst s2  }
0x8f: {  	_ = 	snop  }
0x90: {  	s2 =	sld [smem:$0x3FD0];
	(tm) =	ssettm $0x1  }
0x91: {  	s18 =	sld [smem:$0x3FFB];
	_ =	sdelay $0x3  }
0x92: {  	_ =	strace s18  }
0x93: {  	s3 =	sld [smem:$0x3FFC];
	_ =	sdelay $0x3  }
0x94: {  	_ =	strace s3  }
0x95: {  	s3 =	sld [smem:$0x3FFD];
	_ =	sdelay $0x3  }
0x96: {  	_ =	strace s3  }
0x97: {  	_ =	strace $0x8FFFFFFF  }
0x98: {  	s19 =	sld [smem:$0x3FDB];
	_ =	sdelay $0x1  }
0x99: {  	s4 =	simm.s32 $_scs_section_size  }
0x9a: {  	s5 =	simm.s32 $_size__tile_overlayer_lowered;
	s6 =	simm.s32 $_tile_overlayer_lowered  }
0x9b: {  	s22 =	simm.s32 $0x1BFF;
	s21 =	sshll.u32 s6, $0x1;
	s3 =	sadd.s32 s4, s19  }
0x9c: {  	s7 =	simm.s32 $0x0;
	s20 =	sshll.u32 s5, $0x1;
	s5 =	sadd.s32 s21, s3  }
0x9d: {  	[timem:s7], [sflag:s22] =	dma.local [hbm:s5], s20  }
0x9e: {  	_ =	swait.ge [sflag:s22], s20  }
0x9f: {  	s4 =	ssub.s32 $0x0, s20;
	[sflag:s22] =	ssyncset.done $0x0  }
0xa0: {  	[sflag:s22] =	ssyncadd.s32 s4;
	_ =	sdelay $0x1  }
0xa1: {  	s23 =	simm.s32 $0x1B8B  }
0xa2: {  	_ =	swait.ge [sflag:s23], $0x1  }
0xa3: {  	[sflag:s23] =	ssyncset.done $0x0  }
0xa4: {  	s25 =	simm.s32 $0x1B8E;
	s24 =	sld [smem:$0x3FFE];
	[sflag:s23] =	ssyncadd.s32 $0xFFFFFFFF  }
0xa5: {  	s26 =	simm.s32 $execute0_lowered;
	[smem:$0x3FD2] =	sst s25  }
0xa6: {  	s5 =	sshll.u32 s26, $0x1;
	_ =	strace $0x80000046;
	[dreg:$0x1] =	wrdreg $0xFFFFFFFF  }
0xa7: {  	s28 =	simm.s32 $_size_execute0_lowered;
	s3 =	sadd.s32 s3, s5;
	[dreg:$0x0] =	wrdreg $0x0  }
0xa8: {  	s5 =	sshll.u32 s28, $0x1;
	[dreg:$0x2] =	wrdreg s3  }
0xa9: {  	[dreg:$0x3] =	wrdreg s5  }
0xaa: {  	[dreg:$0x4] =	wrdreg $0xC0  }
0xab: {  	_ =	task [dreg:s7], $0x5FFFF  }
0xac: {  	[dreg:$0x1] =	wrdreg $0xFFFFFFFF  }
0xad: {  	[dreg:$0x0] =	wrdreg $0x60  }
0xae: {  	[dreg:$0x2] =	wrdreg s2  }
0xaf: {  	[dreg:$0x3] =	wrdreg s24  }
0xb0: {  	[dreg:$0x4] =	wrdreg $0xC0000  }
0xb1: {  	[dreg:$0x5] =	wrdreg $0x9  }
0xb2: {  	_ =	task.clear_ibuf [dreg:s7], $0x6FFFF;
	_ =	strace $0x90000046  }
0xb3: {  	s29 =	simm.s32 $0x9;
	_ =	strace $0x80000048  }
0xb4: {  	_ =	swait.ge [sflag:s29], $0x1  }
0xb5: {  	[sflag:s29] =	ssyncadd.s32 $0xFFFFFFFF  }
0xb6: {  	_ =	strace $0x90000048  }
0xb7: {  	_ =	sfence  }
0xb8: {  	s30 =	sld [smem:$0x0];
	_ =	sdelay $0x2  }
0xb9: {  	s31 =	sshll.u32 s1, $0xD;
	s1 =	sshrl.u32 s1, $0x2  }
0xba: {  	s3 =	sand.u32 $0x4000, s31;
	s1 =	sadd.s32 s1, s30  }
0xbb: {  	s0 =	sor.u32 s3, s0;
	s1 =	sshll.u32 s1, $0x11  }
0xbc: {  	s0 =	sor.u32 s1, s0  }
0xbd: {  	s0 =	sadd.s32 $0x8F2B, s0  }
0xbe: {  	[sflag:s0] =	ssyncadd.remote.s32 $0x1  }
0xbf: {  	_ =	sfence.sel $0xFFFF  }
0xc0: {  	[dreg:$0x0] =	wrdreg $0xFFFFFFFF;
	(pc) =	sbr.abs _section_cstart, $3  }
0xc1: {  	[dreg:$0x1] =	wrdreg $0xFFFFFFFF  }
0xc2: {  	_ =	task.clear_ibuf [dreg:s7], $0x2FFFF;
	_ =	strace $0x9FFFFFFF  }
0xc3: {  	(tm) =	ssettm $0x7FFFFFFF  }
tec
execute0_lowered:
.L_overlay_start_1:
0x0: {  	(tag) =	ssettag $0x1  }
0x1: {  	s1 =	rddreg [dreg:$0x0]  }
0x2: {  	s0 =	srdreg.scid;
	s2 =	rddreg [dreg:$0x1]  }
0x3: {  	s24 =	stileid.u32;
	s3 =	rddreg [dreg:$0x2]  }
0x4: {  	s4 =	simm.s32 $0x0;
	s18 =	simm.s32 $0x4000;
	s19 =	simm.s32 $0x3  }
0x5: {  	s20 =	simm.s32 $0x2000;
	s21 =	simm.s32 $0x80;
	s6 =	smul.u32 $0x2800, s24  }
0x6: {  	s22 =	simm.s32 $0x8000;
	s23 =	simm.s32 $0x1;
	s29 =	smul.u32 $0x4E200, s24  }
0x7: {  	s26 =	simm.s32 $0x2;
	s31 =	simm.s32 $0x0;
	s12 =	smul.u32 $0x13800, s24  }
0x8: {  	s0 =	sand.u32 $0x1, s0;
	[smem:$0x7FF] =	sst s4;
	s13 =	smul.u32 $0x4E000, s24  }
0x9: {  	p0 =	sne.s32 s24, $0xF;
	s5 =	smul.u32 $0x28000, s0;
	_ =	strace $0x80000047  }
0xa: {  	s7 =	ssub.s32 $0x2, s0;
	s0 =	smul.u32 $0x138800, s0;
	s28 =	sshrl.u32 s6, $0x3  }
0xb: {  	s8 =	sshrl.u32 s7, $0x1;
	s13 =	sshrl.u32 s13, $0x2;
	s5 =	sadd.s32 s6, s5  }
0xc: {  	s11 =	sadd.s32 s28, s2;
	s6 =	sshrl.u32 s29, $0x2;
	s14 =	ssub.s32 s7, s8  }
0xd: {  	s12 =	sadd.s32 s12, s0;
	s0 =	sshrl.u32 s0, $0x3;
	s30 =	sadd.s32 s13, s3  }
0xe: {  	s5 =	sshrl.u32 s5, $0x3;
	s6 =	sadd.s32 s6, s3;
	s9 =	sadd.s32 $0xB600, s11  }
0xf: {  	s11 =	sadd.s32 $0xBA00, s11;
	s12 =	sshrl.u32 s12, $0x3;
	s14 =	smax.u32 s14, $0x1  }
0x10: {  	s24 =	sshrl.u32 s30, $0x3;
	s10 =	sadd.s32 s5, s2;
	s5 =	sadd.s32 $0x10600, s2  }
0x11: {  	s2 =	sadd.s32 $0x10E00, s2;
	s7 =	sadd.s32 $0x10000, s6;
	s15 =	sadd.s32 $0x4000, s6  }
0x12: {  	s16 =	sadd.s32 $0x8000, s6;
	s17 =	sadd.s32 $0xC000, s6;
	s0 =	sadd.s32 s2, s0  }
0x13: {  	s8 =	sadd.s32 $0x1600, s10;
	s13 =	sadd.s32 $0x27000, s0;
	s0 =	sadd.s32 $0x138000, s3  }
0x14: {  	s10 =	sadd.s32 $0x1A00, s10;
	s12 =	sadd.s32 s2, s12;
	s25 =	sshrl.u32 @!p0 s0, $0x3  }
.LBB2_1:
0x15: {  	[tilespmem:s18], [sflag:$0x3] =	stream.linear.gather [hbm4b:s5+s4], $0x4000, $0x38;
	[tilespmem:$0x1F8C0] =	vst v63  }
0x16: {  	_ =	swait.ge [sflag:s19], $0x4000  }
0x17: {  	[sflag:s19] =	ssyncset.done $0x0  }
0x18: {  	[sflag:s19] =	ssyncadd.s32 $0xFFFFC000  }
0x19: {  	[spmem:s6] =	stream.linear.scatter [tilespmem:s18], [sflag:$0x3], $0x4000, $0x38;
	[tilespmem:$0x1F8C0] =	vst v63  }
0x1a: {  	_ =	swait.ge [sflag:s19], $0x4000  }
0x1b: {  	[sflag:s19] =	ssyncset.done $0x0  }
0x1c: {  	[sflag:s19] =	ssyncadd.s32 $0xFFFFC000  }
0x1d: {  	[spmem:s15] =	stream.linear.scatter [tilespmem:s18], [sflag:$0x3], $0x4000, $0x38;
	[tilespmem:$0x1F8C0] =	vst v63  }
0x1e: {  	_ =	swait.ge [sflag:s19], $0x4000  }
0x1f: {  	[sflag:s19] =	ssyncset.done $0x0  }
0x20: {  	[sflag:s19] =	ssyncadd.s32 $0xFFFFC000  }
0x21: {  	[spmem:s16] =	stream.linear.scatter [tilespmem:s18], [sflag:$0x3], $0x4000, $0x38;
	[tilespmem:$0x1F8C0] =	vst v63  }
0x22: {  	_ =	swait.ge [sflag:s19], $0x4000  }
0x23: {  	[sflag:s19] =	ssyncset.done $0x0  }
0x24: {  	[sflag:s19] =	ssyncadd.s32 $0xFFFFC000  }
0x25: {  	[spmem:s17] =	stream.linear.scatter [tilespmem:s18], [sflag:$0x3], $0x4000, $0x38;
	[tilespmem:$0x1F8C0] =	vst v63  }
0x26: {  	_ =	swait.ge [sflag:s19], $0x4000  }
0x27: {  	[sflag:s19] =	ssyncset.done $0x0  }
0x28: {  	[sflag:s19] =	ssyncadd.s32 $0xFFFFC000  }
0x29: {  	[spmem:s7] =	stream.linear.scatter [tilespmem:s18], [sflag:$0x3], $0x3880, $0x38;
	[tilespmem:$0x1F8C0] =	vst v63  }
0x2a: {  	_ =	swait.ge [sflag:s19], $0x3880  }
0x2b: {  	[sflag:s19] =	ssyncset.done $0x0  }
0x2c: {  	[sflag:s19] =	ssyncadd.s32 $0xFFFFC780  }
0x2d: {  	[tilespmem:s4], [sflag:$0x3] =	stream.linear.gather [hbm4b:s8+s4], $0x2000, $0x38;
	[tilespmem:$0x1F8C0] =	vst v63  }
0x2e: {  	_ =	swait.ge [sflag:s19], $0x2000  }
0x2f: {  	[sflag:s19] =	ssyncset.done $0x0  }
0x30: {  	[sflag:s19] =	ssyncadd.s32 $0xFFFFE000  }
0x31: {  	[tilespmem:s20], [sflag:$0x3] =	stream.linear.gather [hbm4b:s9+s4], $0x2000, $0x38;
	[tilespmem:$0x1F8C0] =	vst v63  }
0x32: {  	_ =	swait.ge [sflag:s19], $0x2000  }
0x33: {  	[sflag:s19] =	ssyncset.done $0x0  }
0x34: {  	[sflag:s19] =	ssyncadd.s32 $0xFFFFE000  }
0x35: {  	[bflag:$0x0] =	sbarrier.arrive $0xFFFF  }
0x36: {  	[tilespmem:s18], [sflag:$0x1] =	stream.indirect.gather [hbm4b:s1+s21], $0x80, s4, s21, $0xb8;
	[tilespmem:$0x1F8C0] =	vst v63  }
0x37: {  	s2 =	simm.s32 $0x80  }
0x38: {  	[tilespmem:s22], [sflag:$0x2] =	stream.indirect.gather [hbm4b:s1+s21], $0x80, s2, s21, $0xb8;
	[tilespmem:$0x1F8C0] =	vst v63  }
0x39: {  	_ =	swait.ge [sflag:s23], $0x4000  }
0x3a: {  	[sflag:s23] =	ssyncset.done $0x0  }
0x3b: {  	s0 =	simm.s32 $0x2000;
	[sflag:s23] =	ssyncadd.s32 $0xFFFFC000  }
0x3c: {  	[spmem:s3] =	stream.indirect.scatter.add.f32 [tilespmem:s18], [sflag:$0x3], $0x80, s0, s21, $0xb8;
	[tilespmem:$0x1F8C0] =	vst v63  }
0x3d: {  	_ =	swait.ge [sflag:s19], $0x4000  }
0x3e: {  	[sflag:s19] =	ssyncset.done $0x0  }
0x3f: {  	s29 =	simm.s32 $0x100;
	[sflag:s19] =	ssyncadd.s32 $0xFFFFC000  }
0x40: {  	[tilespmem:s18], [sflag:$0x1] =	stream.indirect.gather [hbm4b:s1+s21], $0x80, s29, s21, $0xb8;
	[tilespmem:$0x1F8C0] =	vst v63  }
0x41: {  	_ =	swait.ge [sflag:s26], $0x4000  }
0x42: {  	[sflag:s26] =	ssyncset.done $0x0  }
0x43: {  	s30 =	simm.s32 $0x2080;
	[sflag:s26] =	ssyncadd.s32 $0xFFFFC000  }
0x44: {  	[spmem:s3] =	stream.indirect.scatter.add.f32 [tilespmem:s22], [sflag:$0x3], $0x80, s30, s21, $0xb8;
	[tilespmem:$0x1F8C0] =	vst v63  }
0x45: {  	_ =	swait.ge [sflag:s19], $0x4000  }
0x46: {  	s28 =	simm.s32 $0x800;
	s2 =	simm.s32 $0x100;
	[sflag:s19] =	ssyncset.done $0x0  }
.LBB2_2:
0x47: {  	s0 =	sadd.s32 $0x80, s2  }
0x48: {  	[sflag:s19] =	ssyncadd.s32 $0xFFFFC000;
	s29 =	smov.u32 s28;
	s30 =	sadd.s32 $0x400, s28  }
0x49: {  	[tilespmem:s22], [sflag:$0x2] =	stream.indirect.gather [hbm4b:s1+s21], $0x80, s0, s21, $0xb8;
	[tilespmem:$0x1F8C0] =	vst v63  }
0x4a: {  	p1 =	sne.s32 s28, $0x7800;
	_ =	swait.ge [sflag:s23], $0x4000  }
0x4b: {  	[sflag:s23] =	ssyncset.done $0x0  }
0x4c: {  	s0 =	sadd.s32 $0x2000, s2;
	[sflag:s23] =	ssyncadd.s32 $0xFFFFC000  }
0x4d: {  	[spmem:s3] =	stream.indirect.scatter.add.f32 [tilespmem:s18], [sflag:$0x3], $0x80, s0, s21, $0xb8;
	[tilespmem:$0x1F8C0] =	vst v63  }
0x4e: {  	_ =	swait.ge [sflag:s19], $0x4000  }
0x4f: {  	[sflag:s19] =	ssyncset.done $0x0  }
0x50: {  	s0 =	sadd.s32 $0x100, s2;
	[sflag:s19] =	ssyncadd.s32 $0xFFFFC000  }
0x51: {  	[tilespmem:s18], [sflag:$0x1] =	stream.indirect.gather [hbm4b:s1+s21], $0x80, s0, s21, $0xb8;
	[tilespmem:$0x1F8C0] =	vst v63  }
0x52: {  	_ =	swait.ge [sflag:s26], $0x4000  }
.Ltmp0:
0x53: {  	[sflag:s26] =	ssyncset.done $0x0;
	(pc) =	sbr.rel @p1 .LBB2_2-.Ltmp0, $4  }
0x54: {  	s0 =	sadd.s32 $0x2080, s2;
	[sflag:s26] =	ssyncadd.s32 $0xFFFFC000  }
0x55: {  	[spmem:s3] =	stream.indirect.scatter.add.f32 [tilespmem:s22], [sflag:$0x3], $0x80, s0, s21, $0xb8;
	[tilespmem:$0x1F8C0] =	vst v63  }
0x56: {  	_ =	swait.ge [sflag:s19], $0x4000  }
0x57: {  	s28 =	smov.u32 s30;
	s2 =	sshra.s32 s29, $0x2;
	[sflag:s19] =	ssyncset.done $0x0  }
0x58: {  	s0 =	sadd.s32 $0x80, s2;
	[sflag:s19] =	ssyncadd.s32 $0xFFFFC000  }
0x59: {  	[tilespmem:s22], [sflag:$0x2] =	stream.indirect.gather [hbm4b:s1+s21], $0x80, s0, s21, $0xb8;
	[tilespmem:$0x1F8C0] =	vst v63  }
0x5a: {  	_ =	swait.ge [sflag:s23], $0x4000  }
0x5b: {  	[sflag:s23] =	ssyncset.done $0x0  }
0x5c: {  	s30 =	sadd.s32 $0x2000, s2;
	[sflag:s23] =	ssyncadd.s32 $0xFFFFC000  }
0x5d: {  	[spmem:s3] =	stream.indirect.scatter.add.f32 [tilespmem:s18], [sflag:$0x3], $0x80, s30, s21, $0xb8;
	[tilespmem:$0x1F8C0] =	vst v63  }
0x5e: {  	_ =	swait.ge [sflag:s19], $0x4000  }
0x5f: {  	[sflag:s19] =	ssyncset.done $0x0  }
0x60: {  	s28 =	sadd.s32 $0x100, s2;
	[sflag:s19] =	ssyncadd.s32 $0xFFFFC000  }
0x61: {  	[tilespmem:s18], [sflag:$0x1] =	stream.indirect.gather [hbm4b:s1+s21], $0x80, s28, s21, $0xb8;
	[tilespmem:$0x1F8C0] =	vst v63  }
0x62: {  	_ =	swait.ge [sflag:s26], $0x4000  }
0x63: {  	[sflag:s26] =	ssyncset.done $0x0  }
0x64: {  	s29 =	sadd.s32 $0x2080, s2;
	[sflag:s26] =	ssyncadd.s32 $0xFFFFC000  }
0x65: {  	[spmem:s3] =	stream.indirect.scatter.add.f32 [tilespmem:s22], [sflag:$0x3], $0x80, s29, s21, $0xb8;
	[tilespmem:$0x1F8C0] =	vst v63  }
0x66: {  	_ =	swait.ge [sflag:s19], $0x4000  }
0x67: {  	[sflag:s19] =	ssyncset.done $0x0  }
0x68: {  	s30 =	simm.s32 $0x1F80;
	[sflag:s19] =	ssyncadd.s32 $0xFFFFC000  }
0x69: {  	[tilespmem:s22], [sflag:$0x2] =	stream.indirect.gather [hbm4b:s1+s21], $0x80, s30, s21, $0xb8;
	[tilespmem:$0x1F8C0] =	vst v63  }
0x6a: {  	_ =	swait.ge [sflag:s23], $0x4000  }
0x6b: {  	[sflag:s23] =	ssyncset.done $0x0  }
0x6c: {  	s2 =	simm.s32 $0x3F00;
	[sflag:s23] =	ssyncadd.s32 $0xFFFFC000  }
0x6d: {  	[spmem:s3] =	stream.indirect.scatter.add.f32 [tilespmem:s18], [sflag:$0x3], $0x80, s2, s21, $0xb8;
	[tilespmem:$0x1F8C0] =	vst v63  }
0x6e: {  	_ =	swait.ge [sflag:s19], $0x4000  }
0x6f: {  	[sflag:s19] =	ssyncset.done $0x0  }
0x70: {  	[sflag:s19] =	ssyncadd.s32 $0xFFFFC000  }
0x71: {  	_ =	swait.ge [sflag:s26], $0x4000  }
0x72: {  	[sflag:s26] =	ssyncset.done $0x0  }
0x73: {  	s28 =	simm.s32 $0x3F80;
	[sflag:s26] =	ssyncadd.s32 $0xFFFFC000  }
0x74: {  	[spmem:s3] =	stream.indirect.scatter.add.f32 [tilespmem:s22], [sflag:$0x3], $0x80, s28, s21, $0xb8;
	[tilespmem:$0x1F8C0] =	vst v63  }
0x75: {  	_ =	swait.ge [sflag:s19], $0x4000  }
0x76: {  	[sflag:s19] =	ssyncset.done $0x0  }
0x77: {  	[sflag:s19] =	ssyncadd.s32 $0xFFFFC000  }
0x78: {  	[tilespmem:s4], [sflag:$0x3] =	stream.linear.gather [hbm4b:s10+s4], $0x800, $0x38;
	[tilespmem:$0x1F8C0] =	vst v63  }
0x79: {  	_ =	swait.ge [sflag:s19], $0x800  }
0x7a: {  	[sflag:s19] =	ssyncset.done $0x0  }
0x7b: {  	[sflag:s19] =	ssyncadd.s32 $0xFFFFF800  }
0x7c: {  	[tilespmem:s20], [sflag:$0x3] =	stream.linear.gather [hbm4b:s11+s4], $0x800, $0x38;
	[tilespmem:$0x1F8C0] =	vst v63  }
0x7d: {  	_ =	swait.ge [sflag:s19], $0x800  }
0x7e: {  	[sflag:s19] =	ssyncset.done $0x0  }
0x7f: {  	[sflag:s19] =	ssyncadd.s32 $0xFFFFF800  }
0x80: {  	[tilespmem:s18], [sflag:$0x1] =	stream.indirect.gather [hbm4b:s1+s21], $0x80, s4, s21, $0xb8;
	[tilespmem:$0x1F8C0] =	vst v63  }
0x81: {  	_ = 	snop  }
0x82: {  	[tilespmem:s22], [sflag:$0x2] =	stream.indirect.gather [hbm4b:s1+s21], $0x80, s21, s21, $0xb8;
	[tilespmem:$0x1F8C0] =	vst v63  }
0x83: {  	_ =	swait.ge [sflag:s23], $0x4000  }
0x84: {  	[sflag:s23] =	ssyncset.done $0x0  }
0x85: {  	[sflag:s23] =	ssyncadd.s32 $0xFFFFC000  }
0x86: {  	[spmem:s3] =	stream.indirect.scatter.add.f32 [tilespmem:s18], [sflag:$0x3], $0x80, s20, s21, $0xb8;
	[tilespmem:$0x1F8C0] =	vst v63  }
0x87: {  	_ =	swait.ge [sflag:s19], $0x4000  }
0x88: {  	[sflag:s19] =	ssyncset.done $0x0  }
0x89: {  	s29 =	simm.s32 $0x100;
	[sflag:s19] =	ssyncadd.s32 $0xFFFFC000  }
0x8a: {  	[tilespmem:s18], [sflag:$0x1] =	stream.indirect.gather [hbm4b:s1+s21], $0x80, s29, s21, $0xb8;
	[tilespmem:$0x1F8C0] =	vst v63  }
0x8b: {  	_ =	swait.ge [sflag:s26], $0x4000  }
0x8c: {  	[sflag:s26] =	ssyncset.done $0x0  }
0x8d: {  	s30 =	simm.s32 $0x2080;
	[sflag:s26] =	ssyncadd.s32 $0xFFFFC000  }
0x8e: {  	[spmem:s3] =	stream.indirect.scatter.add.f32 [tilespmem:s22], [sflag:$0x3], $0x80, s30, s21, $0xb8;
	[tilespmem:$0x1F8C0] =	vst v63  }
0x8f: {  	_ =	swait.ge [sflag:s19], $0x4000  }
0x90: {  	[sflag:s19] =	ssyncset.done $0x0  }
0x91: {  	s2 =	simm.s32 $0x180;
	[sflag:s19] =	ssyncadd.s32 $0xFFFFC000  }
0x92: {  	[tilespmem:s22], [sflag:$0x2] =	stream.indirect.gather [hbm4b:s1+s21], $0x80, s2, s21, $0xb8;
	[tilespmem:$0x1F8C0] =	vst v63  }
0x93: {  	_ =	swait.ge [sflag:s23], $0x4000  }
0x94: {  	[sflag:s23] =	ssyncset.done $0x0  }
0x95: {  	s28 =	simm.s32 $0x2100;
	[sflag:s23] =	ssyncadd.s32 $0xFFFFC000  }
0x96: {  	[spmem:s3] =	stream.indirect.scatter.add.f32 [tilespmem:s18], [sflag:$0x3], $0x80, s28, s21, $0xb8;
	[tilespmem:$0x1F8C0] =	vst v63  }
0x97: {  	_ =	swait.ge [sflag:s19], $0x4000  }
0x98: {  	[sflag:s19] =	ssyncset.done $0x0  }
0x99: {  	s29 =	simm.s32 $0x200;
	[sflag:s19] =	ssyncadd.s32 $0xFFFFC000  }
0x9a: {  	[tilespmem:s18], [sflag:$0x1] =	stream.indirect.gather [hbm4b:s1+s21], $0x80, s29, s21, $0xb8;
	[tilespmem:$0x1F8C0] =	vst v63  }
0x9b: {  	_ =	swait.ge [sflag:s26], $0x4000  }
0x9c: {  	[sflag:s26] =	ssyncset.done $0x0  }
0x9d: {  	s30 =	simm.s32 $0x2180;
	[sflag:s26] =	ssyncadd.s32 $0xFFFFC000  }
0x9e: {  	[spmem:s3] =	stream.indirect.scatter.add.f32 [tilespmem:s22], [sflag:$0x3], $0x80, s30, s21, $0xb8;
	[tilespmem:$0x1F8C0] =	vst v63  }
0x9f: {  	_ =	swait.ge [sflag:s19], $0x4000  }
0xa0: {  	[sflag:s19] =	ssyncset.done $0x0  }
0xa1: {  	s2 =	simm.s32 $0x280;
	[sflag:s19] =	ssyncadd.s32 $0xFFFFC000  }
0xa2: {  	[tilespmem:s22], [sflag:$0x2] =	stream.indirect.gather [hbm4b:s1+s21], $0x80, s2, s21, $0xb8;
	[tilespmem:$0x1F8C0] =	vst v63  }
0xa3: {  	_ =	swait.ge [sflag:s23], $0x4000  }
0xa4: {  	[sflag:s23] =	ssyncset.done $0x0  }
0xa5: {  	s28 =	simm.s32 $0x2200;
	[sflag:s23] =	ssyncadd.s32 $0xFFFFC000  }
0xa6: {  	[spmem:s3] =	stream.indirect.scatter.add.f32 [tilespmem:s18], [sflag:$0x3], $0x80, s28, s21, $0xb8;
	[tilespmem:$0x1F8C0] =	vst v63  }
0xa7: {  	_ =	swait.ge [sflag:s19], $0x4000  }
0xa8: {  	[sflag:s19] =	ssyncset.done $0x0  }
0xa9: {  	s29 =	simm.s32 $0x300;
	[sflag:s19] =	ssyncadd.s32 $0xFFFFC000  }
0xaa: {  	[tilespmem:s18], [sflag:$0x1] =	stream.indirect.gather [hbm4b:s1+s21], $0x80, s29, s21, $0xb8;
	[tilespmem:$0x1F8C0] =	vst v63  }
0xab: {  	_ =	swait.ge [sflag:s26], $0x4000  }
0xac: {  	[sflag:s26] =	ssyncset.done $0x0  }
0xad: {  	s30 =	simm.s32 $0x2280;
	[sflag:s26] =	ssyncadd.s32 $0xFFFFC000  }
0xae: {  	[spmem:s3] =	stream.indirect.scatter.add.f32 [tilespmem:s22], [sflag:$0x3], $0x80, s30, s21, $0xb8;
	[tilespmem:$0x1F8C0] =	vst v63  }
0xaf: {  	_ =	swait.ge [sflag:s19], $0x4000  }
0xb0: {  	[sflag:s19] =	ssyncset.done $0x0  }
0xb1: {  	s2 =	simm.s32 $0x380;
	[sflag:s19] =	ssyncadd.s32 $0xFFFFC000  }
0xb2: {  	[tilespmem:s22], [sflag:$0x2] =	stream.indirect.gather [hbm4b:s1+s21], $0x80, s2, s21, $0xb8;
	[tilespmem:$0x1F8C0] =	vst v63  }
0xb3: {  	_ =	swait.ge [sflag:s23], $0x4000  }
0xb4: {  	[sflag:s23] =	ssyncset.done $0x0  }
0xb5: {  	s28 =	simm.s32 $0x2300;
	[sflag:s23] =	ssyncadd.s32 $0xFFFFC000  }
0xb6: {  	[spmem:s3] =	stream.indirect.scatter.add.f32 [tilespmem:s18], [sflag:$0x3], $0x80, s28, s21, $0xb8;
	[tilespmem:$0x1F8C0] =	vst v63  }
0xb7: {  	_ =	swait.ge [sflag:s19], $0x4000  }
0xb8: {  	[sflag:s19] =	ssyncset.done $0x0  }
0xb9: {  	s29 =	simm.s32 $0x400;
	[sflag:s19] =	ssyncadd.s32 $0xFFFFC000  }
0xba: {  	[tilespmem:s18], [sflag:$0x1] =	stream.indirect.gather [hbm4b:s1+s21], $0x80, s29, s21, $0xb8;
	[tilespmem:$0x1F8C0] =	vst v63  }
0xbb: {  	_ =	swait.ge [sflag:s26], $0x4000  }
0xbc: {  	[sflag:s26] =	ssyncset.done $0x0  }
0xbd: {  	s30 =	simm.s32 $0x2380;
	[sflag:s26] =	ssyncadd.s32 $0xFFFFC000  }
0xbe: {  	[spmem:s3] =	stream.indirect.scatter.add.f32 [tilespmem:s22], [sflag:$0x3], $0x80, s30, s21, $0xb8;
	[tilespmem:$0x1F8C0] =	vst v63  }
0xbf: {  	_ =	swait.ge [sflag:s19], $0x4000  }
0xc0: {  	[sflag:s19] =	ssyncset.done $0x0  }
0xc1: {  	s2 =	simm.s32 $0x480;
	[sflag:s19] =	ssyncadd.s32 $0xFFFFC000  }
0xc2: {  	[tilespmem:s22], [sflag:$0x2] =	stream.indirect.gather [hbm4b:s1+s21], $0x80, s2, s21, $0xb8;
	[tilespmem:$0x1F8C0] =	vst v63  }
0xc3: {  	_ =	swait.ge [sflag:s23], $0x4000  }
0xc4: {  	[sflag:s23] =	ssyncset.done $0x0  }
0xc5: {  	s28 =	simm.s32 $0x2400;
	[sflag:s23] =	ssyncadd.s32 $0xFFFFC000  }
0xc6: {  	[spmem:s3] =	stream.indirect.scatter.add.f32 [tilespmem:s18], [sflag:$0x3], $0x80, s28, s21, $0xb8;
	[tilespmem:$0x1F8C0] =	vst v63  }
0xc7: {  	_ =	swait.ge [sflag:s19], $0x4000  }
0xc8: {  	[sflag:s19] =	ssyncset.done $0x0  }
0xc9: {  	s29 =	simm.s32 $0x500;
	[sflag:s19] =	ssyncadd.s32 $0xFFFFC000  }
0xca: {  	[tilespmem:s18], [sflag:$0x1] =	stream.indirect.gather [hbm4b:s1+s21], $0x80, s29, s21, $0xb8;
	[tilespmem:$0x1F8C0] =	vst v63  }
0xcb: {  	_ =	swait.ge [sflag:s26], $0x4000  }
0xcc: {  	[sflag:s26] =	ssyncset.done $0x0  }
0xcd: {  	s30 =	simm.s32 $0x2480;
	[sflag:s26] =	ssyncadd.s32 $0xFFFFC000  }
0xce: {  	[spmem:s3] =	stream.indirect.scatter.add.f32 [tilespmem:s22], [sflag:$0x3], $0x80, s30, s21, $0xb8;
	[tilespmem:$0x1F8C0] =	vst v63  }
0xcf: {  	_ =	swait.ge [sflag:s19], $0x4000  }
0xd0: {  	[sflag:s19] =	ssyncset.done $0x0  }
0xd1: {  	s2 =	simm.s32 $0x580;
	[sflag:s19] =	ssyncadd.s32 $0xFFFFC000  }
0xd2: {  	[tilespmem:s22], [sflag:$0x2] =	stream.indirect.gather [hbm4b:s1+s21], $0x80, s2, s21, $0xb8;
	[tilespmem:$0x1F8C0] =	vst v63  }
0xd3: {  	_ =	swait.ge [sflag:s23], $0x4000  }
0xd4: {  	[sflag:s23] =	ssyncset.done $0x0  }
0xd5: {  	s28 =	simm.s32 $0x2500;
	[sflag:s23] =	ssyncadd.s32 $0xFFFFC000  }
0xd6: {  	[spmem:s3] =	stream.indirect.scatter.add.f32 [tilespmem:s18], [sflag:$0x3], $0x80, s28, s21, $0xb8;
	[tilespmem:$0x1F8C0] =	vst v63  }
0xd7: {  	_ =	swait.ge [sflag:s19], $0x4000  }
0xd8: {  	[sflag:s19] =	ssyncset.done $0x0  }
0xd9: {  	s29 =	simm.s32 $0x600;
	[sflag:s19] =	ssyncadd.s32 $0xFFFFC000  }
0xda: {  	[tilespmem:s18], [sflag:$0x1] =	stream.indirect.gather [hbm4b:s1+s21], $0x80, s29, s21, $0xb8;
	[tilespmem:$0x1F8C0] =	vst v63  }
0xdb: {  	_ =	swait.ge [sflag:s26], $0x4000  }
0xdc: {  	[sflag:s26] =	ssyncset.done $0x0  }
0xdd: {  	s30 =	simm.s32 $0x2580;
	[sflag:s26] =	ssyncadd.s32 $0xFFFFC000  }
0xde: {  	[spmem:s3] =	stream.indirect.scatter.add.f32 [tilespmem:s22], [sflag:$0x3], $0x80, s30, s21, $0xb8;
	[tilespmem:$0x1F8C0] =	vst v63  }
0xdf: {  	_ =	swait.ge [sflag:s19], $0x4000  }
0xe0: {  	[sflag:s19] =	ssyncset.done $0x0  }
0xe1: {  	s2 =	simm.s32 $0x680;
	[sflag:s19] =	ssyncadd.s32 $0xFFFFC000  }
0xe2: {  	[tilespmem:s22], [sflag:$0x2] =	stream.indirect.gather [hbm4b:s1+s21], $0x80, s2, s21, $0xb8;
	[tilespmem:$0x1F8C0] =	vst v63  }
0xe3: {  	_ =	swait.ge [sflag:s23], $0x4000  }
0xe4: {  	[sflag:s23] =	ssyncset.done $0x0  }
0xe5: {  	s28 =	simm.s32 $0x2600;
	[sflag:s23] =	ssyncadd.s32 $0xFFFFC000  }
0xe6: {  	[spmem:s3] =	stream.indirect.scatter.add.f32 [tilespmem:s18], [sflag:$0x3], $0x80, s28, s21, $0xb8;
	[tilespmem:$0x1F8C0] =	vst v63  }
0xe7: {  	_ =	swait.ge [sflag:s19], $0x4000  }
0xe8: {  	[sflag:s19] =	ssyncset.done $0x0  }
0xe9: {  	s29 =	simm.s32 $0x700;
	[sflag:s19] =	ssyncadd.s32 $0xFFFFC000  }
0xea: {  	[tilespmem:s18], [sflag:$0x1] =	stream.indirect.gather [hbm4b:s1+s21], $0x80, s29, s21, $0xb8;
	[tilespmem:$0x1F8C0] =	vst v63  }
0xeb: {  	_ =	swait.ge [sflag:s26], $0x4000  }
0xec: {  	[sflag:s26] =	ssyncset.done $0x0  }
0xed: {  	s30 =	simm.s32 $0x2680;
	[sflag:s26] =	ssyncadd.s32 $0xFFFFC000  }
0xee: {  	[spmem:s3] =	stream.indirect.scatter.add.f32 [tilespmem:s22], [sflag:$0x3], $0x80, s30, s21, $0xb8;
	[tilespmem:$0x1F8C0] =	vst v63  }
0xef: {  	_ =	swait.ge [sflag:s19], $0x4000  }
0xf0: {  	[sflag:s19] =	ssyncset.done $0x0  }
0xf1: {  	s2 =	simm.s32 $0x780;
	[sflag:s19] =	ssyncadd.s32 $0xFFFFC000  }
0xf2: {  	[tilespmem:s22], [sflag:$0x2] =	stream.indirect.gather [hbm4b:s1+s21], $0x80, s2, s21, $0xb8;
	[tilespmem:$0x1F8C0] =	vst v63  }
0xf3: {  	_ =	swait.ge [sflag:s23], $0x4000  }
0xf4: {  	[sflag:s23] =	ssyncset.done $0x0  }
0xf5: {  	s28 =	simm.s32 $0x2700;
	[sflag:s23] =	ssyncadd.s32 $0xFFFFC000  }
0xf6: {  	[spmem:s3] =	stream.indirect.scatter.add.f32 [tilespmem:s18], [sflag:$0x3], $0x80, s28, s21, $0xb8;
	[tilespmem:$0x1F8C0] =	vst v63  }
0xf7: {  	_ =	swait.ge [sflag:s19], $0x4000  }
0xf8: {  	[sflag:s19] =	ssyncset.done $0x0  }
0xf9: {  	[sflag:s19] =	ssyncadd.s32 $0xFFFFC000  }
0xfa: {  	_ =	swait.ge [sflag:s26], $0x4000  }
0xfb: {  	[sflag:s26] =	ssyncset.done $0x0  }
0xfc: {  	s29 =	simm.s32 $0x2780;
	[sflag:s26] =	ssyncadd.s32 $0xFFFFC000  }
0xfd: {  	[spmem:s3] =	stream.indirect.scatter.add.f32 [tilespmem:s22], [sflag:$0x3], $0x80, s29, s21, $0xb8;
	[tilespmem:$0x1F8C0] =	vst v63  }
0xfe: {  	_ =	swait.ge [sflag:s19], $0x4000  }
0xff: {  	s30 =	stileid.u32;
	[sflag:s19] =	ssyncset.done $0x0  }
0x100: {  	s0 =	sshll.u32 s30, $0x6;
	[sflag:s19] =	ssyncadd.s32 $0xFFFFC000  }
0x101: {  	s0 =	sor.u32 $0x1C03, s0;
	[bflag:$0x0] =	sbarrier.arrive $0xFFFF  }
0x102: {  	[hbm:s12], [sflag:s0] =	dma.local [spmem:s24], $0x2700  }
0x103: {  	_ =	swait.ge [sflag:s19], $0x2700  }
0x104: {  	s31 =	sadd.s32 $0x1, s31;
	[sflag:s19] =	ssyncset.done $0x0  }
0x105: {  	p1 =	sne.s32 s31, s14;
	[sflag:s19] =	ssyncadd.s32 $0xFFFFD900  }
0x106: {  	[hbm:s13], [sflag:s0] =	dma.local @!p0 [spmem:s25], $0x100  }
.Ltmp1:
0x107: {  	_ = 	snop;
	(pc) =	sbr.rel @p1 .LBB2_1-.Ltmp1, $4  }
0x108: {  	s0 =	simm.s32 @!p0 $0x3  }
0x109: {  	_ =	swait.ge @!p0 [sflag:s0], $0x100  }
0x10a: {  	[sflag:s0] =	ssyncset.done @!p0 $0x0  }
0x10b: {  	[sflag:s0] =	ssyncadd.s32 @!p0 $0xFFFFFF00  }
0x10c: {  	_ =	sfence.sel $0x180000  }
0x10d: {  	[bflag:$0x0] =	sbarrier.arrive $0xFFFF  }
0x10e: {  	_ =	strace $0x90000047  }
0x10f: {  	s0 =	stileid.u32;
	[bflag:$0x2] =	sbarrier.arrive $0xFFFF  }
0x110: {  	p0 =	sne.s32 s0, $0x0;
	s0 =	rddreg [dreg:$0x3]  }
0x111: {  	s0 =	sadd.s32 @!p0 $0x100000, s0  }
0x112: {  	[sflag:s0] =	ssyncadd.tile.s32 @!p0 $0x1;
	_ =	shalt  }
.Lfunc_end2:
_tile_overlayer_lowered:
.L_overlay_start_2:
0x113: {  	(tag) =	ssettag $0x2  }
0x114: {  	s0 =	rddreg [dreg:$0x0];
	s2 =	stileid.u32  }
0x115: {  	s1 =	rddreg [dreg:$0x1];
	p0 =	sne.s32 s2, $0x0  }
0x116: {  	s3 =	rddreg [dreg:$0x2];
	[bflag:$0x3] =	sbarrier.arrive $0xFFFF;
	s2 =	simm.s32 @!p0 $0x1C03  }
0x117: {  	[timem:s3], [sflag:s2] =	dma.local @!p0 [hbm:s0], s1  }
0x118: {  	s0 =	simm.s32 @!p0 $0x3  }
0x119: {  	_ =	swait.ge @!p0 [sflag:s0], s1  }
0x11a: {  	s1 =	ssub.s32 @!p0 $0x0, s1;
	[sflag:s0] =	ssyncset.done @!p0 $0x0  }
0x11b: {  	[sflag:s0] =	ssyncadd.s32 @!p0 s1  }
0x11c: {  	[bflag:$0x3] =	sbarrier.arrive $0xFFFF  }
0x11d: {  	_ =	shalt  }

</sc_bundles>
